<compile_context>
chip_gen: v7x
topology: tpu7x:2x2x1
jax: 0.10.2.dev20260603
libtpu: 0.0.44.dev20260713+nightly
codegen_flags: <defaults>
</compile_context>

<pallas_src>
import functools

import jax
import jax.numpy as jnp
import numpy as np
from jax import lax
from jax.experimental import pallas as pl
from jax.experimental.pallas import tpu as pltpu
from jax.experimental.pallas import tpu_sc as plsc

N = 1000000
C = 50
NBINS = 15

_XQ = np.linspace(0.0, float(N), NBINS + 1).astype(np.float32)
_KS = [int(np.floor(_XQ[i])) for i in range(1, NBINS)]
_FS = np.asarray([float(_XQ[i]) - float(np.floor(_XQ[i]))
                  for i in range(1, NBINS)], dtype=np.float32)
_TARGET_RANKS = np.asarray([0, N - 1] + _KS + [k + 1 for k in _KS], dtype=np.int32)

LO_BITS = 1015021568
ONE_BITS = 1065353216
NBUCKET = 3072
NSLOT = 30
NSUB = 128
SUBW = NSLOT * NSUB

NPAD = 1048576
PER_TILE = 32768
RB = 8000
GRID_A = N // RB


def _softmax_body(lref, labref, cref, aref):
    xt = lref[...].T
    m = jnp.max(xt, axis=0, keepdims=True)
    s = jnp.sum(jnp.exp(xt - m), axis=0)
    iota = lax.broadcasted_iota(jnp.int32, (C, RB), 0)
    pred = jnp.min(jnp.where(xt == m, iota, C), axis=0)
    cref[...] = (1.0 / s).reshape(1, 1, RB)
    aref[...] = (pred.reshape(1, 1, RB) == labref[...]).astype(jnp.float32)


def _stage_a(logits, labels3):
    return pl.pallas_call(
        _softmax_body,
        grid=(GRID_A,),
        in_specs=[
            pl.BlockSpec((RB, C), lambda i: (i, 0)),
            pl.BlockSpec((1, 1, RB), lambda i: (i, 0, 0)),
        ],
        out_specs=[
            pl.BlockSpec((1, 1, RB), lambda i: (i, 0, 0)),
            pl.BlockSpec((1, 1, RB), lambda i: (i, 0, 0)),
        ],
        out_shape=[
            jax.ShapeDtypeStruct((GRID_A, 1, RB), jnp.float32),
            jax.ShapeDtypeStruct((GRID_A, 1, RB), jnp.float32),
        ],
    )(logits, labels3)


def _hist1_body(conf_hbm, out_hbm, buf, hist):
    cid = lax.axis_index("c")
    sid = lax.axis_index("s")
    wid = sid * 2 + cid
    lane = lax.iota(jnp.int32, 16)
    lbase = lane * NBUCKET

    def zero(i, _):
        hist[pl.ds(i * 16, 16)] = jnp.zeros((16,), jnp.int32)
        return 0

    lax.fori_loop(0, (NBUCKET * 16) // 16, zero, 0)
    pltpu.sync_copy(conf_hbm.at[pl.ds(wid * PER_TILE, PER_TILE)], buf)
    ones = jnp.ones((16,), jnp.int32)

    def body(v, _):
        bits = buf[pl.ds(v * 16, 16)]
        idx = lax.shift_right_arithmetic(bits - LO_BITS, 14)
        idx = jnp.clip(idx, 0, NBUCKET - 1)
        mask = bits <= ONE_BITS
        plsc.addupdate_scatter(hist, [lbase + idx], ones, mask=mask)
        return 0

    lax.fori_loop(0, PER_TILE // 16, body, 0)
    pltpu.sync_copy(hist, out_hbm.at[wid])


def _stage_b(conf_pad):
    mesh = plsc.VectorSubcoreMesh(core_axis_name="c", subcore_axis_name="s")
    f = pl.kernel(
        _hist1_body,
        out_type=jax.ShapeDtypeStruct((32, 16 * NBUCKET), jnp.int32),
        mesh=mesh,
        compiler_params=pltpu.CompilerParams(needs_layout_passes=False),
        scratch_types=[
            pltpu.VMEM((PER_TILE,), jnp.int32),
            pltpu.VMEM((16 * NBUCKET,), jnp.int32),
        ],
    )
    return f(conf_pad)


def _cum_from_hist(h512):
    Hr = jnp.sum(h512, axis=0)
    k = lax.broadcasted_iota(jnp.int32, (128, 128), 0)
    j = lax.broadcasted_iota(jnp.int32, (128, 128), 1)
    within = jnp.sum(Hr[:, :, None] * (k <= j)[None, :, :].astype(jnp.int32),
                     axis=1)
    rs = jnp.sum(Hr, axis=1)
    r = lax.broadcasted_iota(jnp.int32, (24, 24), 0)
    p = lax.broadcasted_iota(jnp.int32, (24, 24), 1)
    offs = jnp.sum(rs[None, :] * (p < r).astype(jnp.int32), axis=1)
    cum = within + offs[:, None]
    return Hr, cum


def _target_buckets(cum, kt):
    le = (cum[None, :, :] <= kt[:, None, None]).astype(jnp.int32)
    return jnp.sum(le, axis=(1, 2))


def _slot_of(b):
    u = lax.broadcasted_iota(jnp.int32, (NSLOT, NSLOT), 1)
    eq = b[:, None] == b[None, :]
    return jnp.min(jnp.where(eq, u, NSLOT), axis=1)


def _lut_body(href, ktref, out_ref):
    _, cum = _cum_from_hist(href[...])
    kt = ktref[...][0, :NSLOT]
    b = _target_buckets(cum, kt)
    slot = _slot_of(b)
    r2 = lax.broadcasted_iota(jnp.int32, (24, 128), 0)
    c2 = lax.broadcasted_iota(jnp.int32, (24, 128), 1)
    jcell = r2 * 128 + c2
    hit = b[:, None, None] == jcell[None, :, :]
    lut = jnp.min(jnp.where(hit, slot[:, None, None], NSLOT), axis=0)
    lut = jnp.where(lut == NSLOT, -1, lut)
    out_ref[...] = lut.reshape(1, NBUCKET)


def _stage_c1(hist512, kt2d):
    return pl.pallas_call(
        _lut_body,
        out_shape=jax.ShapeDtypeStruct((1, NBUCKET), jnp.int32),
    )(hist512, kt2d)


def _hist2_body(conf_hbm, lut_hbm, out_hbm, buf, lut, sub):
    cid = lax.axis_index("c")
    sid = lax.axis_index("s")
    wid = sid * 2 + cid
    lane = lax.iota(jnp.int32, 16)
    lbase = lane * SUBW

    def zero(i, _):
        sub[pl.ds(i * 16, 16)] = jnp.zeros((16,), jnp.int32)
        return 0

    lax.fori_loop(0, (SUBW * 16) // 16, zero, 0)
    pltpu.sync_copy(lut_hbm, lut)
    pltpu.sync_copy(conf_hbm.at[pl.ds(wid * PER_TILE, PER_TILE)], buf)
    ones = jnp.ones((16,), jnp.int32)

    def body(v, _):
        bits = buf[pl.ds(v * 16, 16)]
        idx = lax.shift_right_arithmetic(bits - LO_BITS, 14)
        idx = jnp.clip(idx, 0, NBUCKET - 1)
        slot = plsc.load_gather(lut, [idx])
        mask = jnp.logical_and(bits <= ONE_BITS, slot >= 0)
        slot = jnp.maximum(slot, 0)
        subidx = jnp.bitwise_and(lax.shift_right_logical(bits, 7), NSUB - 1)
        plsc.addupdate_scatter(sub, [lbase + slot * NSUB + subidx], ones,
                               mask=mask)
        return 0

    lax.fori_loop(0, PER_TILE // 16, body, 0)
    pltpu.sync_copy(sub, out_hbm.at[wid])


def _stage_d(conf_pad, lut_flat):
    mesh = plsc.VectorSubcoreMesh(core_axis_name="c", subcore_axis_name="s")
    f = pl.kernel(
        _hist2_body,
        out_type=jax.ShapeDtypeStruct((32, 16 * SUBW), jnp.int32),
        mesh=mesh,
        compiler_params=pltpu.CompilerParams(needs_layout_passes=False),
        scratch_types=[
            pltpu.VMEM((PER_TILE,), jnp.int32),
            pltpu.VMEM((NBUCKET,), jnp.int32),
            pltpu.VMEM((16 * SUBW,), jnp.int32),
        ],
    )
    return f(conf_pad, lut_flat)


def _bounds_body(href, subref, ktref, fsref, lo_ref, hi_ref):
    Hr, cum = _cum_from_hist(href[...])
    kt = ktref[...][0, :NSLOT]
    b = _target_buckets(cum, kt)
    slot = _slot_of(b)
    r2 = lax.broadcasted_iota(jnp.int32, (24, 128), 0)
    c2 = lax.broadcasted_iota(jnp.int32, (24, 128), 1)
    jcell = r2 * 128 + c2
    excl = cum - Hr
    hit = (b[:, None, None] == jcell[None, :, :]).astype(jnp.int32)
    below = jnp.sum(hit * excl[None, :, :], axis=(1, 2))
    rloc = kt - below

    SH = jnp.sum(subref[...], axis=0)
    k = lax.broadcasted_iota(jnp.int32, (NSUB, NSUB), 0)
    j = lax.broadcasted_iota(jnp.int32, (NSUB, NSUB), 1)
    cumsub = jnp.sum(SH[:, :, None] * (k <= j)[None, :, :].astype(jnp.int32),
                     axis=1)
    uu = lax.broadcasted_iota(jnp.int32, (NSLOT, NSLOT), 1)
    sel = (slot[:, None] == uu).astype(jnp.int32)
    cs_t = jnp.sum(sel[:, :, None] * cumsub[None, :, :], axis=1)
    subpos = jnp.sum((cs_t <= rloc[:, None]).astype(jnp.int32), axis=1)

    vbits = (LO_BITS + lax.shift_left(b, 14) + lax.shift_left(subpos, 7) + 64)
    vals = lax.bitcast_convert_type(vbits, jnp.float32)
    low = vals[2:2 + (NBINS - 1)]
    high = vals[2 + (NBINS - 1):2 + 2 * (NBINS - 1)]
    mid = low + fsref[...][0, :NBINS - 1] * (high - low)
    bnd = jnp.concatenate([vals[0:1], mid, vals[1:2]])
    blosrc = jnp.concatenate([bnd[:NBINS], jnp.full((1,), jnp.inf, jnp.float32)])
    bhisrc = jnp.concatenate([bnd[1:], jnp.full((1,), -jnp.inf, jnp.float32)])
    r16 = lax.broadcasted_iota(jnp.int32, (16, 16), 0)
    u16 = lax.broadcasted_iota(jnp.int32, (16, 16), 1)
    sel = u16 == r16
    lo16 = jnp.sum(jnp.where(sel, blosrc[None, :], 0.0), axis=1, keepdims=True)
    hi16 = jnp.sum(jnp.where(sel, bhisrc[None, :], 0.0), axis=1, keepdims=True)
    lo_ref[...] = jnp.broadcast_to(lo16, (16, 128))
    hi_ref[...] = jnp.broadcast_to(hi16, (16, 128))


def _stage_c2(hist512, sub512, kt2d, fs2d):
    return pl.pallas_call(
        _bounds_body,
        out_shape=[
            jax.ShapeDtypeStruct((16, 128), jnp.float32),
            jax.ShapeDtypeStruct((16, 128), jnp.float32),
        ],
    )(hist512, sub512, kt2d, fs2d)


def _ece_body(loref, hiref, cref, aref, out_ref, cnt, sc, sa):
    pid = pl.program_id(0)

    @pl.when(pid == 0)
    def _init():
        cnt[...] = jnp.zeros((16, RB), jnp.float32)
        sc[...] = jnp.zeros((16, RB), jnp.float32)
        sa[...] = jnp.zeros((16, RB), jnp.float32)

    c = cref[...].reshape(1, RB)
    a = aref[...].reshape(1, RB)
    lo = loref[...][:, 0:1]
    hi = hiref[...][:, 0:1]
    m = jnp.logical_and(c > lo, c <= hi).astype(jnp.float32)
    cnt[...] += m
    sc[...] += m * c
    sa[...] += m * a

    @pl.when(pid == GRID_A - 1)
    def _fini():
        n = jnp.sum(cnt[...], axis=1)
        s1 = jnp.sum(sc[...], axis=1)
        s2 = jnp.sum(sa[...], axis=1)
        denom = jnp.maximum(n, 1.0)
        term = jnp.abs(s1 / denom - s2 / denom) * (n / float(N))
        out_ref[0, 0] = jnp.sum(jnp.where(n > 0, term, 0.0))


def _stage_e(blo, bhi, conf3, acc3):
    return pl.pallas_call(
        _ece_body,
        grid=(GRID_A,),
        in_specs=[
            pl.BlockSpec((16, 128), lambda i: (0, 0)),
            pl.BlockSpec((16, 128), lambda i: (0, 0)),
            pl.BlockSpec((1, 1, RB), lambda i: (i, 0, 0)),
            pl.BlockSpec((1, 1, RB), lambda i: (i, 0, 0)),
        ],
        out_specs=pl.BlockSpec(memory_space=pltpu.SMEM),
        out_shape=jax.ShapeDtypeStruct((1, 1), jnp.float32),
        scratch_shapes=[
            pltpu.VMEM((16, RB), jnp.float32),
            pltpu.VMEM((16, RB), jnp.float32),
            pltpu.VMEM((16, RB), jnp.float32),
        ],
    )(blo, bhi, conf3, acc3)


@jax.jit
def kernel(logits, labels):
    labels3 = labels.reshape(GRID_A, 1, RB)
    conf3, acc3 = _stage_a(logits, labels3)
    conf_flat = conf3.reshape(N)
    conf_pad = jnp.concatenate(
        [conf_flat, jnp.full((NPAD - N,), 2.0, jnp.float32)])
    conf_bits = lax.bitcast_convert_type(conf_pad, jnp.int32)
    kt2d = jnp.asarray(np.pad(_TARGET_RANKS, (0, 2)).reshape(1, 32))
    fs2d = jnp.asarray(np.pad(_FS, (0, 2)).reshape(1, 16))
    hist = _stage_b(conf_bits).reshape(512, 24, 128)
    lut = _stage_c1(hist, kt2d).reshape(NBUCKET)
    sub = _stage_d(conf_bits, lut).reshape(512, NSLOT, NSUB)
    blo, bhi = _stage_c2(hist, sub, kt2d, fs2d)
    ece = _stage_e(blo, bhi, conf3, acc3)
    return ece.reshape(())

# --- scband reference (transcript-rebuilt; emitter-appended) ---
"""Pipeline reference for scband-adaptive-eceloss-32195074850951 (READ-ONLY COPY).

The authoritative reference and input builder live on the scoring server;
editing this copy changes nothing except your own understanding.
"""

import jax, jax.numpy as jnp
import numpy as np

N_BINS = 15
N = 1000000
C = 50

def setup_inputs(seed: int = 0) -> dict:
    key = jax.random.key(seed)
    k1, k2 = jax.random.split(key)
    logits = jax.random.normal(k1, (N, C), dtype=jnp.float32)
    labels = jax.random.randint(k2, (N,), 0, C, dtype=jnp.int32)
    return {"logits": logits, "labels": labels}

def reference(logits, labels):
    softmaxes = jax.nn.softmax(logits, axis=1)
    confidences = jnp.max(softmaxes, axis=1)
    predictions = jnp.argmax(softmaxes, axis=1).astype(jnp.int32)
    accuracies = (predictions == labels).astype(jnp.float32)
    npt = confidences.shape[0]
    # histedges_equalN: equal-count bin boundaries via interp over sorted confidences
    sorted_conf = jnp.sort(confidences)
    xq = jnp.linspace(0.0, float(npt), N_BINS + 1)
    xp = jnp.arange(npt, dtype=jnp.float32)
    boundaries = jnp.interp(xq, xp, sorted_conf)
    # original computes boundaries with numpy -> no gradient through them
    boundaries = jax.lax.stop_gradient(boundaries)
    ece = jnp.float32(0.0)
    for i in range(N_BINS):
        lo = boundaries[i]
        hi = boundaries[i + 1]
        in_bin = jnp.logical_and(confidences > lo, confidences <= hi).astype(jnp.float32)
        prop_in_bin = jnp.mean(in_bin)
        cnt = jnp.sum(in_bin)
        denom = jnp.maximum(cnt, 1.0)
        accuracy_in_bin = jnp.sum(accuracies * in_bin) / denom
        avg_confidence_in_bin = jnp.sum(confidences * in_bin) / denom
        ece = ece + jnp.where(prop_in_bin > 0,
                              jnp.abs(avg_confidence_in_bin - accuracy_in_bin) * prop_in_bin,
                              jnp.float32(0.0))
    return ece

if __name__ == "__main__":
    import jax
    _d = setup_inputs()
    print(jax.jit(kernel)(*tuple(_d.values())))

</pallas_src>

<mosaic_0001>
#map = affine_map<(d0, d1) -> (0)>
#map1 = affine_map<(d0, d1) -> (0, 0)>
module attributes {stable_mosaic.version = 14 : i64} {
  func.func @_hist2_body(%arg0: i32, %arg1: i32, %arg2: memref<1048576xi32, #tpu.memory_space<hbm>>, %arg3: memref<3072xi32, #tpu.memory_space<hbm>>, %arg4: memref<32x61440xi32, #tpu.memory_space<hbm>>, %arg5: memref<32768xi32, #tpu.memory_space<vmem>>, %arg6: memref<3072xi32, #tpu.memory_space<vmem>>, %arg7: memref<61440xi32, #tpu.memory_space<vmem>>) attributes {dimension_semantics = [#tpu.dimension_semantics<core_parallel>, #tpu.dimension_semantics<subcore_parallel>], iteration_bounds = array<i64: 2, 16>, scalar_prefetch = 0 : i64, scratch_operands = 3 : i64, tpu.core_type = #tpu.core_type<sc_vector_subcore>, window_params = [{transform_indices = #map}, {transform_indices = #map}, {transform_indices = #map1}]} {
    %mul3A = arith.constant 2 : i32
    %mul3A_0 = arith.muli %arg1, %mul3A : i32
    %add3A = arith.addi %mul3A_0, %arg0 : i32
    %iota3A = tpu.iota {dimensions = array<i32: 0>} : vector<16xi32>
    %mul3A_1 = arith.constant 3840 : i32
    %mul3A_2 = vector.broadcast %mul3A_1 : i32 to vector<16xi32>
    %mul3A_3 = arith.muli %iota3A, %mul3A_2 : vector<16xi32>
    %scan3A = arith.constant 0 : i32
    %scan3A_4 = arith.constant 0 : i32
    %scan3A_5 = arith.constant 3840 : i32
    %scan3A_6 = arith.addi %scan3A_4, %scan3A_5 : i32
    %scan3A_7 = arith.constant 1 : i32
    %scan3A_8 = scf.for %scan3A_20 = %scan3A_4 to %scan3A_6 step %scan3A_7 iter_args(%scan3A_21 = %scan3A) -> (i32)  : i32 {
      %broadcast_in_dim3A_22 = arith.constant 0 : i32
      %broadcast_in_dim3A_23 = vector.broadcast %broadcast_in_dim3A_22 : i32 to vector<16xi32>
      %mul3A_24 = arith.constant 16 : i32
      %mul3A_25 = arith.muli %scan3A_20, %mul3A_24 : i32
      %swap3A = arith.index_cast %mul3A_25 : i32 to index
      %swap3A_26 = tpu.vector_load %arg7[%swap3A] {strides = array<i32>} : memref<61440xi32, #tpu.memory_space<vmem>>, vector<16xi32>,
      tpu.vector_store %arg7[%swap3A], %broadcast_in_dim3A_23 {strides = array<i32>} : memref<61440xi32, #tpu.memory_space<vmem>>, vector<16xi32>,
      %scan3A_27 = arith.constant 0 : i32
      scf.yield %scan3A_27 : i32
    }
    %scan3A_9 = arith.constant 3840 : i32
    "tpu.region"() ({
      %run_scoped3A = tpu.sem_alloc : memref<!tpu.dma_semaphore, #tpu.memory_space<semaphore_mem>>
      tpu.enqueue_dma source(%arg3 : memref<3072xi32, #tpu.memory_space<hbm>>) target(%arg6 : memref<3072xi32, #tpu.memory_space<vmem>>) target_semaphore(%run_scoped3A : memref<!tpu.dma_semaphore, #tpu.memory_space<semaphore_mem>>)
      tpu.wait_dma2 semaphore(%run_scoped3A : memref<!tpu.dma_semaphore, #tpu.memory_space<semaphore_mem>>) src(%arg3 : memref<3072xi32, #tpu.memory_space<hbm>>) dst(%arg6 : memref<3072xi32, #tpu.memory_space<vmem>>)
      tpu.yield
    }) : () -> ()
    %mul3A_10 = arith.constant 32768 : i32
    %mul3A_11 = arith.muli %add3A, %mul3A_10 : i32
    "tpu.region"() ({
      %run_scoped3A = tpu.sem_alloc : memref<!tpu.dma_semaphore, #tpu.memory_space<semaphore_mem>>
      %dma_start3A = tpu.memref_slice %arg2[%mul3A_11] : memref<1048576xi32, #tpu.memory_space<hbm>> -> memref<32768xi32, #tpu.memory_space<hbm>>
      %dma_start3A_20 = tpu.memref_slice %arg2[%mul3A_11] : memref<1048576xi32, #tpu.memory_space<hbm>> -> memref<32768xi32, #tpu.memory_space<hbm>>
      tpu.enqueue_dma source(%dma_start3A_20 : memref<32768xi32, #tpu.memory_space<hbm>>) target(%arg5 : memref<32768xi32, #tpu.memory_space<vmem>>) target_semaphore(%run_scoped3A : memref<!tpu.dma_semaphore, #tpu.memory_space<semaphore_mem>>)
      %dma_wait3A = tpu.memref_slice %arg2[%mul3A_11] : memref<1048576xi32, #tpu.memory_space<hbm>> -> memref<32768xi32, #tpu.memory_space<hbm>>
      %dma_wait3A_21 = tpu.memref_slice %arg2[%mul3A_11] : memref<1048576xi32, #tpu.memory_space<hbm>> -> memref<32768xi32, #tpu.memory_space<hbm>>
      tpu.wait_dma2 semaphore(%run_scoped3A : memref<!tpu.dma_semaphore, #tpu.memory_space<semaphore_mem>>) src(%dma_wait3A_21 : memref<32768xi32, #tpu.memory_space<hbm>>) dst(%arg5 : memref<32768xi32, #tpu.memory_space<vmem>>)
      tpu.yield
    }) : () -> ()
    %broadcast_in_dim3A = arith.constant 1 : i32
    %broadcast_in_dim3A_12 = vector.broadcast %broadcast_in_dim3A : i32 to vector<16xi32>
    %scan3A_13 = arith.constant 0 : i32
    %scan3A_14 = arith.constant 0 : i32
    %scan3A_15 = arith.constant 2048 : i32
    %scan3A_16 = arith.addi %scan3A_14, %scan3A_15 : i32
    %scan3A_17 = arith.constant 1 : i32
    %scan3A_18 = scf.for %scan3A_20 = %scan3A_14 to %scan3A_16 step %scan3A_17 iter_args(%scan3A_21 = %scan3A_13) -> (i32)  : i32 {
      %mul3A_22 = arith.constant 16 : i32
      %mul3A_23 = arith.muli %scan3A_20, %mul3A_22 : i32
      %get3A = arith.index_cast %mul3A_23 : i32 to index
      %get3A_24 = tpu.vector_load %arg5[%get3A] {strides = array<i32>} : memref<32768xi32, #tpu.memory_space<vmem>>, vector<16xi32>,
      %sub3A = arith.constant 1015021568 : i32
      %sub3A_25 = vector.broadcast %sub3A : i32 to vector<16xi32>
      %sub3A_26 = arith.subi %get3A_24, %sub3A_25 : vector<16xi32>
      %shift_right_arithmetic3A = arith.constant 14 : i32
      %shift_right_arithmetic3A_27 = vector.broadcast %shift_right_arithmetic3A : i32 to vector<16xi32>
      %shift_right_arithmetic3A_28 = arith.shrsi %sub3A_26, %shift_right_arithmetic3A_27 : vector<16xi32>
      %jit3A = arith.constant 0 : i32
      %jit3A_29 = arith.constant 3071 : i32
      %max3A = vector.broadcast %jit3A : i32 to vector<16xi32>
      %max3A_30 = arith.maxsi %max3A, %shift_right_arithmetic3A_28 : vector<16xi32>
      %min3A = vector.broadcast %jit3A_29 : i32 to vector<16xi32>
      %min3A_31 = arith.minsi %min3A, %max3A_30 : vector<16xi32>
      %gather3A = tpu.vector_load_idx %arg6[%min3A_31] : memref<3072xi32, #tpu.memory_space<vmem>>[vector<16xi32>], vector<16xi32>,
      %le3A = arith.constant 1065353216 : i32
      %le3A_32 = vector.broadcast %le3A : i32 to vector<16xi32>
      %le3A_33 = arith.cmpi sle, %get3A_24, %le3A_32 : vector<16xi32>
      %ge3A = arith.constant 0 : i32
      %ge3A_34 = vector.broadcast %ge3A : i32 to vector<16xi32>
      %ge3A_35 = arith.cmpi sge, %gather3A, %ge3A_34 : vector<16xi32>
      %and3A = arith.andi %le3A_33, %ge3A_35 : vector<16xi1>
      %max3A_36 = arith.constant 0 : i32
      %max3A_37 = vector.broadcast %max3A_36 : i32 to vector<16xi32>
      %max3A_38 = arith.maxsi %gather3A, %max3A_37 : vector<16xi32>
      %shift_right_logical3A = arith.constant 7 : i32
      %shift_right_logical3A_39 = vector.broadcast %shift_right_logical3A : i32 to vector<16xi32>
      %shift_right_logical3A_40 = arith.shrui %get3A_24, %shift_right_logical3A_39 : vector<16xi32>
      %and3A_41 = arith.constant 127 : i32
      %and3A_42 = vector.broadcast %and3A_41 : i32 to vector<16xi32>
      %and3A_43 = arith.andi %shift_right_logical3A_40, %and3A_42 : vector<16xi32>
      %mul3A_44 = arith.constant 128 : i32
      %mul3A_45 = vector.broadcast %mul3A_44 : i32 to vector<16xi32>
      %mul3A_46 = arith.muli %max3A_38, %mul3A_45 : vector<16xi32>
      %add3A_47 = arith.addi %mul3A_3, %mul3A_46 : vector<16xi32>
      %add3A_48 = arith.addi %add3A_47, %and3A_43 : vector<16xi32>
      tpu.vector_store_idx %arg7[%add3A_48], %broadcast_in_dim3A_12 masked %and3A {add = true} : memref<61440xi32, #tpu.memory_space<vmem>>[vector<16xi32>], vector<16xi32>, vector<16xi1>
      %scan3A_49 = arith.constant 0 : i32
      scf.yield %scan3A_49 : i32
    }
    %scan3A_19 = arith.constant 2048 : i32
    "tpu.region"() ({
      %run_scoped3A = tpu.sem_alloc : memref<!tpu.dma_semaphore, #tpu.memory_space<semaphore_mem>>
      %dma_start3A = arith.constant 0 : i32
      %dma_start3A_20 = tpu.memref_slice %arg4[%add3A, %dma_start3A] : memref<32x61440xi32, #tpu.memory_space<hbm>> -> memref<1x61440xi32, #tpu.memory_space<hbm>>
      %dma_start3A_21 = tpu.memref_squeeze %dma_start3A_20 : memref<1x61440xi32, #tpu.memory_space<hbm>> -> memref<61440xi32, #tpu.memory_space<hbm>>
      %dma_start3A_22 = arith.constant 0 : i32
      %dma_start3A_23 = tpu.memref_slice %arg4[%add3A, %dma_start3A_22] : memref<32x61440xi32, #tpu.memory_space<hbm>> -> memref<1x61440xi32, #tpu.memory_space<hbm>>
      %dma_start3A_24 = tpu.memref_squeeze %dma_start3A_23 : memref<1x61440xi32, #tpu.memory_space<hbm>> -> memref<61440xi32, #tpu.memory_space<hbm>>
      tpu.enqueue_dma source(%arg7 : memref<61440xi32, #tpu.memory_space<vmem>>) target(%dma_start3A_24 : memref<61440xi32, #tpu.memory_space<hbm>>) target_semaphore(%run_scoped3A : memref<!tpu.dma_semaphore, #tpu.memory_space<semaphore_mem>>)
      %dma_wait3A = arith.constant 0 : i32
      %dma_wait3A_25 = tpu.memref_slice %arg4[%add3A, %dma_wait3A] : memref<32x61440xi32, #tpu.memory_space<hbm>> -> memref<1x61440xi32, #tpu.memory_space<hbm>>
      %dma_wait3A_26 = tpu.memref_squeeze %dma_wait3A_25 : memref<1x61440xi32, #tpu.memory_space<hbm>> -> memref<61440xi32, #tpu.memory_space<hbm>>
      %dma_wait3A_27 = arith.constant 0 : i32
      %dma_wait3A_28 = tpu.memref_slice %arg4[%add3A, %dma_wait3A_27] : memref<32x61440xi32, #tpu.memory_space<hbm>> -> memref<1x61440xi32, #tpu.memory_space<hbm>>
      %dma_wait3A_29 = tpu.memref_squeeze %dma_wait3A_28 : memref<1x61440xi32, #tpu.memory_space<hbm>> -> memref<61440xi32, #tpu.memory_space<hbm>>
      tpu.wait_dma2 semaphore(%run_scoped3A : memref<!tpu.dma_semaphore, #tpu.memory_space<semaphore_mem>>) src(%arg7 : memref<61440xi32, #tpu.memory_space<vmem>>) dst(%dma_wait3A_29 : memref<61440xi32, #tpu.memory_space<hbm>>)
      tpu.yield
    }) : () -> ()
    return
  }
}

#map = affine_map<(d0, d1) -> (0)>
#map1 = affine_map<(d0, d1) -> (0, 0)>
module attributes {stable_mosaic.version = 14 : i64} {
  func.func @_hist1_body(%arg0: i32, %arg1: i32, %arg2: memref<1048576xi32, #tpu.memory_space<hbm>>, %arg3: memref<32x49152xi32, #tpu.memory_space<hbm>>, %arg4: memref<32768xi32, #tpu.memory_space<vmem>>, %arg5: memref<49152xi32, #tpu.memory_space<vmem>>) attributes {dimension_semantics = [#tpu.dimension_semantics<core_parallel>, #tpu.dimension_semantics<subcore_parallel>], iteration_bounds = array<i64: 2, 16>, scalar_prefetch = 0 : i64, scratch_operands = 2 : i64, tpu.core_type = #tpu.core_type<sc_vector_subcore>, window_params = [{transform_indices = #map}, {transform_indices = #map1}]} {
    %mul3A = arith.constant 2 : i32
    %mul3A_0 = arith.muli %arg1, %mul3A : i32
    %add3A = arith.addi %mul3A_0, %arg0 : i32
    %iota3A = tpu.iota {dimensions = array<i32: 0>} : vector<16xi32>
    %mul3A_1 = arith.constant 3072 : i32
    %mul3A_2 = vector.broadcast %mul3A_1 : i32 to vector<16xi32>
    %mul3A_3 = arith.muli %iota3A, %mul3A_2 : vector<16xi32>
    %scan3A = arith.constant 0 : i32
    %scan3A_4 = arith.constant 0 : i32
    %scan3A_5 = arith.constant 3072 : i32
    %scan3A_6 = arith.addi %scan3A_4, %scan3A_5 : i32
    %scan3A_7 = arith.constant 1 : i32
    %scan3A_8 = scf.for %scan3A_20 = %scan3A_4 to %scan3A_6 step %scan3A_7 iter_args(%scan3A_21 = %scan3A) -> (i32)  : i32 {
      %broadcast_in_dim3A_22 = arith.constant 0 : i32
      %broadcast_in_dim3A_23 = vector.broadcast %broadcast_in_dim3A_22 : i32 to vector<16xi32>
      %mul3A_24 = arith.constant 16 : i32
      %mul3A_25 = arith.muli %scan3A_20, %mul3A_24 : i32
      %swap3A = arith.index_cast %mul3A_25 : i32 to index
      %swap3A_26 = tpu.vector_load %arg5[%swap3A] {strides = array<i32>} : memref<49152xi32, #tpu.memory_space<vmem>>, vector<16xi32>,
      tpu.vector_store %arg5[%swap3A], %broadcast_in_dim3A_23 {strides = array<i32>} : memref<49152xi32, #tpu.memory_space<vmem>>, vector<16xi32>,
      %scan3A_27 = arith.constant 0 : i32
      scf.yield %scan3A_27 : i32
    }
    %scan3A_9 = arith.constant 3072 : i32
    %mul3A_10 = arith.constant 32768 : i32
    %mul3A_11 = arith.muli %add3A, %mul3A_10 : i32
    "tpu.region"() ({
      %run_scoped3A = tpu.sem_alloc : memref<!tpu.dma_semaphore, #tpu.memory_space<semaphore_mem>>
      %dma_start3A = tpu.memref_slice %arg2[%mul3A_11] : memref<1048576xi32, #tpu.memory_space<hbm>> -> memref<32768xi32, #tpu.memory_space<hbm>>
      %dma_start3A_20 = tpu.memref_slice %arg2[%mul3A_11] : memref<1048576xi32, #tpu.memory_space<hbm>> -> memref<32768xi32, #tpu.memory_space<hbm>>
      tpu.enqueue_dma source(%dma_start3A_20 : memref<32768xi32, #tpu.memory_space<hbm>>) target(%arg4 : memref<32768xi32, #tpu.memory_space<vmem>>) target_semaphore(%run_scoped3A : memref<!tpu.dma_semaphore, #tpu.memory_space<semaphore_mem>>)
      %dma_wait3A = tpu.memref_slice %arg2[%mul3A_11] : memref<1048576xi32, #tpu.memory_space<hbm>> -> memref<32768xi32, #tpu.memory_space<hbm>>
      %dma_wait3A_21 = tpu.memref_slice %arg2[%mul3A_11] : memref<1048576xi32, #tpu.memory_space<hbm>> -> memref<32768xi32, #tpu.memory_space<hbm>>
      tpu.wait_dma2 semaphore(%run_scoped3A : memref<!tpu.dma_semaphore, #tpu.memory_space<semaphore_mem>>) src(%dma_wait3A_21 : memref<32768xi32, #tpu.memory_space<hbm>>) dst(%arg4 : memref<32768xi32, #tpu.memory_space<vmem>>)
      tpu.yield
    }) : () -> ()
    %broadcast_in_dim3A = arith.constant 1 : i32
    %broadcast_in_dim3A_12 = vector.broadcast %broadcast_in_dim3A : i32 to vector<16xi32>
    %scan3A_13 = arith.constant 0 : i32
    %scan3A_14 = arith.constant 0 : i32
    %scan3A_15 = arith.constant 2048 : i32
    %scan3A_16 = arith.addi %scan3A_14, %scan3A_15 : i32
    %scan3A_17 = arith.constant 1 : i32
    %scan3A_18 = scf.for %scan3A_20 = %scan3A_14 to %scan3A_16 step %scan3A_17 iter_args(%scan3A_21 = %scan3A_13) -> (i32)  : i32 {
      %mul3A_22 = arith.constant 16 : i32
      %mul3A_23 = arith.muli %scan3A_20, %mul3A_22 : i32
      %get3A = arith.index_cast %mul3A_23 : i32 to index
      %get3A_24 = tpu.vector_load %arg4[%get3A] {strides = array<i32>} : memref<32768xi32, #tpu.memory_space<vmem>>, vector<16xi32>,
      %sub3A = arith.constant 1015021568 : i32
      %sub3A_25 = vector.broadcast %sub3A : i32 to vector<16xi32>
      %sub3A_26 = arith.subi %get3A_24, %sub3A_25 : vector<16xi32>
      %shift_right_arithmetic3A = arith.constant 14 : i32
      %shift_right_arithmetic3A_27 = vector.broadcast %shift_right_arithmetic3A : i32 to vector<16xi32>
      %shift_right_arithmetic3A_28 = arith.shrsi %sub3A_26, %shift_right_arithmetic3A_27 : vector<16xi32>
      %jit3A = arith.constant 0 : i32
      %jit3A_29 = arith.constant 3071 : i32
      %max3A = vector.broadcast %jit3A : i32 to vector<16xi32>
      %max3A_30 = arith.maxsi %max3A, %shift_right_arithmetic3A_28 : vector<16xi32>
      %min3A = vector.broadcast %jit3A_29 : i32 to vector<16xi32>
      %min3A_31 = arith.minsi %min3A, %max3A_30 : vector<16xi32>
      %le3A = arith.constant 1065353216 : i32
      %le3A_32 = vector.broadcast %le3A : i32 to vector<16xi32>
      %le3A_33 = arith.cmpi sle, %get3A_24, %le3A_32 : vector<16xi32>
      %add3A_34 = arith.addi %mul3A_3, %min3A_31 : vector<16xi32>
      tpu.vector_store_idx %arg5[%add3A_34], %broadcast_in_dim3A_12 masked %le3A_33 {add = true} : memref<49152xi32, #tpu.memory_space<vmem>>[vector<16xi32>], vector<16xi32>, vector<16xi1>
      %scan3A_35 = arith.constant 0 : i32
      scf.yield %scan3A_35 : i32
    }
    %scan3A_19 = arith.constant 2048 : i32
    "tpu.region"() ({
      %run_scoped3A = tpu.sem_alloc : memref<!tpu.dma_semaphore, #tpu.memory_space<semaphore_mem>>
      %dma_start3A = arith.constant 0 : i32
      %dma_start3A_20 = tpu.memref_slice %arg3[%add3A, %dma_start3A] : memref<32x49152xi32, #tpu.memory_space<hbm>> -> memref<1x49152xi32, #tpu.memory_space<hbm>>
      %dma_start3A_21 = tpu.memref_squeeze %dma_start3A_20 : memref<1x49152xi32, #tpu.memory_space<hbm>> -> memref<49152xi32, #tpu.memory_space<hbm>>
      %dma_start3A_22 = arith.constant 0 : i32
      %dma_start3A_23 = tpu.memref_slice %arg3[%add3A, %dma_start3A_22] : memref<32x49152xi32, #tpu.memory_space<hbm>> -> memref<1x49152xi32, #tpu.memory_space<hbm>>
      %dma_start3A_24 = tpu.memref_squeeze %dma_start3A_23 : memref<1x49152xi32, #tpu.memory_space<hbm>> -> memref<49152xi32, #tpu.memory_space<hbm>>
      tpu.enqueue_dma source(%arg5 : memref<49152xi32, #tpu.memory_space<vmem>>) target(%dma_start3A_24 : memref<49152xi32, #tpu.memory_space<hbm>>) target_semaphore(%run_scoped3A : memref<!tpu.dma_semaphore, #tpu.memory_space<semaphore_mem>>)
      %dma_wait3A = arith.constant 0 : i32
      %dma_wait3A_25 = tpu.memref_slice %arg3[%add3A, %dma_wait3A] : memref<32x49152xi32, #tpu.memory_space<hbm>> -> memref<1x49152xi32, #tpu.memory_space<hbm>>
      %dma_wait3A_26 = tpu.memref_squeeze %dma_wait3A_25 : memref<1x49152xi32, #tpu.memory_space<hbm>> -> memref<49152xi32, #tpu.memory_space<hbm>>
      %dma_wait3A_27 = arith.constant 0 : i32
      %dma_wait3A_28 = tpu.memref_slice %arg3[%add3A, %dma_wait3A_27] : memref<32x49152xi32, #tpu.memory_space<hbm>> -> memref<1x49152xi32, #tpu.memory_space<hbm>>
      %dma_wait3A_29 = tpu.memref_squeeze %dma_wait3A_28 : memref<1x49152xi32, #tpu.memory_space<hbm>> -> memref<49152xi32, #tpu.memory_space<hbm>>
      tpu.wait_dma2 semaphore(%run_scoped3A : memref<!tpu.dma_semaphore, #tpu.memory_space<semaphore_mem>>) src(%arg5 : memref<49152xi32, #tpu.memory_space<vmem>>) dst(%dma_wait3A_29 : memref<49152xi32, #tpu.memory_space<hbm>>)
      tpu.yield
    }) : () -> ()
    return
  }
}

module attributes {stable_mosaic.version = 14 : i64} {
  func.func @_softmax_body(%arg0: i32, %arg1: memref<8000x50xf32, #tpu.memory_space<vmem>>, %arg2: memref<1x1x8000xi32, #tpu.memory_space<vmem>>, %arg3: memref<1x1x8000xf32, #tpu.memory_space<vmem>>, %arg4: memref<1x1x8000xf32, #tpu.memory_space<vmem>>) attributes {dimension_semantics = [#tpu.dimension_semantics<arbitrary>], iteration_bounds = array<i64: 125>, scalar_prefetch = 0 : i64, scratch_operands = 0 : i64, tpu.core_type = #tpu.core_type<tc>, window_params = [{transform_indices = @transform_0, window_bounds = array<i64: 8000, 50>}, {transform_indices = @transform_1, window_bounds = array<i64: 1, 1, 8000>}, {transform_indices = @transform_2, window_bounds = array<i64: 1, 1, 8000>}, {transform_indices = @transform_3, window_bounds = array<i64: 1, 1, 8000>}]} {
    %get3A = arith.constant 0 : index
    %get3A_0 = arith.constant 0 : index
    %get3A_1 = vector.load %arg1[%get3A, %get3A_0] : memref<8000x50xf32, #tpu.memory_space<vmem>>, vector<8000x50xf32>
    %transpose3A = tpu.transpose %get3A_1, [1, 0] : vector<8000x50xf32> -> vector<50x8000xf32>
    %reduce_max3A = arith.constant dense<0xFF800000> : vector<8000xf32>
    %reduce_max3A_2 = vector.multi_reduction <maximumf>, %transpose3A, %reduce_max3A [0] : vector<50x8000xf32> to vector<8000xf32>
    %broadcast_in_dim3A = vector.shape_cast %reduce_max3A_2 : vector<8000xf32> to vector<1x8000xf32>
    %sub3A = vector.broadcast %broadcast_in_dim3A : vector<1x8000xf32> to vector<50x8000xf32>
    %sub3A_3 = arith.subf %transpose3A, %sub3A : vector<50x8000xf32>
    %exp3A = math.exp %sub3A_3 : vector<50x8000xf32>
    %reduce_sum3A = arith.constant dense<0.000000e+00> : vector<8000xf32>
    %reduce_sum3A_4 = vector.multi_reduction <add>, %exp3A, %reduce_sum3A [0] : vector<50x8000xf32> to vector<8000xf32>
    %iota3A = tpu.iota {dimensions = array<i32: 0>} : vector<50x8000xi32>
    %eq3A = vector.broadcast %broadcast_in_dim3A : vector<1x8000xf32> to vector<50x8000xf32>
    %eq3A_5 = arith.cmpf oeq, %transpose3A, %eq3A : vector<50x8000xf32>
    %jit3A = arith.constant 50 : i32
    %broadcast_in_dim3A_6 = vector.broadcast %jit3A : i32 to vector<50x8000xi32>
    %select_n3A = arith.select %eq3A_5, %iota3A, %broadcast_in_dim3A_6 : vector<50x8000xi1>, vector<50x8000xi32>
    %reduce_min3A = arith.constant dense<2147483647> : vector<8000xi32>
    %reduce_min3A_7 = vector.multi_reduction <minsi>, %select_n3A, %reduce_min3A [0] : vector<50x8000xi32> to vector<8000xi32>
    %div3A = arith.constant 1.000000e+00 : f32
    %div3A_8 = vector.broadcast %div3A : f32 to vector<8000xf32>
    %div3A_9 = arith.divf %div3A_8, %reduce_sum3A_4 : vector<8000xf32>
    %reshape3A = vector.shape_cast %div3A_9 : vector<8000xf32> to vector<1x1x8000xf32>
    %swap3A = arith.constant 0 : index
    %swap3A_10 = arith.constant 0 : index
    %swap3A_11 = arith.constant 0 : index
    %swap3A_12 = vector.load %arg3[%swap3A, %swap3A_10, %swap3A_11] : memref<1x1x8000xf32, #tpu.memory_space<vmem>>, vector<1x1x8000xf32>
    tpu.vector_store %arg3[%swap3A, %swap3A_10, %swap3A_11], %reshape3A {strides = array<i32>} : memref<1x1x8000xf32, #tpu.memory_space<vmem>>, vector<1x1x8000xf32>,
    %reshape3A_13 = vector.shape_cast %reduce_min3A_7 : vector<8000xi32> to vector<1x1x8000xi32>
    %get3A_14 = arith.constant 0 : index
    %get3A_15 = arith.constant 0 : index
    %get3A_16 = arith.constant 0 : index
    %get3A_17 = vector.load %arg2[%get3A_14, %get3A_15, %get3A_16] : memref<1x1x8000xi32, #tpu.memory_space<vmem>>, vector<1x1x8000xi32>
    %eq3A_18 = arith.cmpi eq, %reshape3A_13, %get3A_17 : vector<1x1x8000xi32>
    %convert_element_type3A = arith.extui %eq3A_18 : vector<1x1x8000xi1> to vector<1x1x8000xi32>
    %convert_element_type3A_19 = arith.sitofp %convert_element_type3A : vector<1x1x8000xi32> to vector<1x1x8000xf32>
    %swap3A_20 = arith.constant 0 : index
    %swap3A_21 = arith.constant 0 : index
    %swap3A_22 = arith.constant 0 : index
    %swap3A_23 = vector.load %arg4[%swap3A_20, %swap3A_21, %swap3A_22] : memref<1x1x8000xf32, #tpu.memory_space<vmem>>, vector<1x1x8000xf32>
    tpu.vector_store %arg4[%swap3A_20, %swap3A_21, %swap3A_22], %convert_element_type3A_19 {strides = array<i32>} : memref<1x1x8000xf32, #tpu.memory_space<vmem>>, vector<1x1x8000xf32>,
    return
  }
  func.func @transform_0(%arg0: i32) -> (i32, i32) {
    %c0_i32 = arith.constant 0 : i32
    %c0_i32_0 = arith.constant 0 : i32
    return %arg0, %c0_i32 : i32, i32
  }
  func.func @transform_1(%arg0: i32) -> (i32, i32, i32) {
    %c0_i32 = arith.constant 0 : i32
    %c0_i32_0 = arith.constant 0 : i32
    %c0_i32_1 = arith.constant 0 : i32
    return %arg0, %c0_i32, %c0_i32_0 : i32, i32, i32
  }
  func.func @transform_2(%arg0: i32) -> (i32, i32, i32) {
    %c0_i32 = arith.constant 0 : i32
    %c0_i32_0 = arith.constant 0 : i32
    %c0_i32_1 = arith.constant 0 : i32
    return %arg0, %c0_i32, %c0_i32_0 : i32, i32, i32
  }
  func.func @transform_3(%arg0: i32) -> (i32, i32, i32) {
    %c0_i32 = arith.constant 0 : i32
    %c0_i32_0 = arith.constant 0 : i32
    %c0_i32_1 = arith.constant 0 : i32
    return %arg0, %c0_i32, %c0_i32_0 : i32, i32, i32
  }
}

module attributes {stable_mosaic.version = 14 : i64} {
  func.func @_lut_body(%arg0: memref<512x24x128xi32, #tpu.memory_space<vmem>>, %arg1: memref<1x32xi32, #tpu.memory_space<vmem>>, %arg2: memref<1x3072xi32, #tpu.memory_space<vmem>>) attributes {dimension_semantics = [], scalar_prefetch = 0 : i64, scratch_operands = 0 : i64, tpu.core_type = #tpu.core_type<tc>} {
    %get3A = arith.constant 0 : index
    %get3A_0 = arith.constant 0 : index
    %get3A_1 = arith.constant 0 : index
    %get3A_2 = vector.load %arg0[%get3A, %get3A_0, %get3A_1] : memref<512x24x128xi32, #tpu.memory_space<vmem>>, vector<512x24x128xi32>
    %reduce_sum3A = arith.constant dense<0> : vector<24x128xi32>
    %reduce_sum3A_3 = vector.multi_reduction <add>, %get3A_2, %reduce_sum3A [0] : vector<512x24x128xi32> to vector<24x128xi32>
    %iota3A = tpu.iota {dimensions = array<i32: 0>} : vector<128x128xi32>
    %iota3A_4 = tpu.iota {dimensions = array<i32: 1>} : vector<128x128xi32>
    %broadcast_in_dim3A = vector.shape_cast %reduce_sum3A_3 : vector<24x128xi32> to vector<24x128x1xi32>
    %le3A = arith.cmpi sle, %iota3A, %iota3A_4 : vector<128x128xi32>
    %broadcast_in_dim3A_5 = vector.shape_cast %le3A : vector<128x128xi1> to vector<1x128x128xi1>
    %convert_element_type3A = arith.extui %broadcast_in_dim3A_5 : vector<1x128x128xi1> to vector<1x128x128xi32>
    %mul3A = vector.broadcast %broadcast_in_dim3A : vector<24x128x1xi32> to vector<24x128x128xi32>
    %mul3A_6 = vector.broadcast %convert_element_type3A : vector<1x128x128xi32> to vector<24x128x128xi32>
    %mul3A_7 = arith.muli %mul3A, %mul3A_6 : vector<24x128x128xi32>
    %reduce_sum3A_8 = arith.constant dense<0> : vector<24x128xi32>
    %reduce_sum3A_9 = vector.multi_reduction <add>, %mul3A_7, %reduce_sum3A_8 [1] : vector<24x128x128xi32> to vector<24x128xi32>
    %reduce_sum3A_10 = arith.constant dense<0> : vector<24xi32>
    %reduce_sum3A_11 = vector.multi_reduction <add>, %reduce_sum3A_3, %reduce_sum3A_10 [1] : vector<24x128xi32> to vector<24xi32>
    %iota3A_12 = tpu.iota {dimensions = array<i32: 0>} : vector<24x24xi32>
    %iota3A_13 = tpu.iota {dimensions = array<i32: 1>} : vector<24x24xi32>
    %broadcast_in_dim3A_14 = vector.shape_cast %reduce_sum3A_11 : vector<24xi32> to vector<1x24xi32>
    %lt3A = arith.cmpi slt, %iota3A_13, %iota3A_12 : vector<24x24xi32>
    %convert_element_type3A_15 = arith.extui %lt3A : vector<24x24xi1> to vector<24x24xi32>
    %mul3A_16 = vector.broadcast %broadcast_in_dim3A_14 : vector<1x24xi32> to vector<24x24xi32>
    %mul3A_17 = arith.muli %mul3A_16, %convert_element_type3A_15 : vector<24x24xi32>
    %reduce_sum3A_18 = arith.constant dense<0> : vector<24xi32>
    %reduce_sum3A_19 = vector.multi_reduction <add>, %mul3A_17, %reduce_sum3A_18 [1] : vector<24x24xi32> to vector<24xi32>
    %broadcast_in_dim3A_20 = vector.shape_cast %reduce_sum3A_19 : vector<24xi32> to vector<24x1xi32>
    %add3A = vector.broadcast %broadcast_in_dim3A_20 : vector<24x1xi32> to vector<24x128xi32>
    %add3A_21 = arith.addi %reduce_sum3A_9, %add3A : vector<24x128xi32>
    %get3A_22 = arith.constant 0 : index
    %get3A_23 = arith.constant 0 : index
    %get3A_24 = vector.load %arg1[%get3A_22, %get3A_23] : memref<1x32xi32, #tpu.memory_space<vmem>>, vector<1x32xi32>
    %slice3A = vector.extract_strided_slice %get3A_24 {offsets = [0, 0], sizes = [1, 30], strides = [1, 1]} : vector<1x32xi32> to vector<1x30xi32>
    %squeeze3A = vector.shape_cast %slice3A : vector<1x30xi32> to vector<30xi32>
    %broadcast_in_dim3A_25 = vector.shape_cast %add3A_21 : vector<24x128xi32> to vector<1x24x128xi32>
    %broadcast_in_dim3A_26 = vector.shape_cast %squeeze3A : vector<30xi32> to vector<30x1x1xi32>
    %le3A_27 = vector.broadcast %broadcast_in_dim3A_25 : vector<1x24x128xi32> to vector<30x24x128xi32>
    %le3A_28 = vector.broadcast %broadcast_in_dim3A_26 : vector<30x1x1xi32> to vector<30x24x128xi32>
    %le3A_29 = arith.cmpi sle, %le3A_27, %le3A_28 : vector<30x24x128xi32>
    %convert_element_type3A_30 = arith.extui %le3A_29 : vector<30x24x128xi1> to vector<30x24x128xi32>
    %reduce_sum3A_31 = arith.constant dense<0> : vector<30xi32>
    %reduce_sum3A_32 = vector.multi_reduction <add>, %convert_element_type3A_30, %reduce_sum3A_31 [1, 2] : vector<30x24x128xi32> to vector<30xi32>
    %iota3A_33 = tpu.iota {dimensions = array<i32: 1>} : vector<30x30xi32>
    %broadcast_in_dim3A_34 = vector.shape_cast %reduce_sum3A_32 : vector<30xi32> to vector<30x1xi32>
    %broadcast_in_dim3A_35 = vector.shape_cast %reduce_sum3A_32 : vector<30xi32> to vector<1x30xi32>
    %eq3A = vector.broadcast %broadcast_in_dim3A_34 : vector<30x1xi32> to vector<30x30xi32>
    %eq3A_36 = vector.broadcast %broadcast_in_dim3A_35 : vector<1x30xi32> to vector<30x30xi32>
    %eq3A_37 = arith.cmpi eq, %eq3A, %eq3A_36 : vector<30x30xi32>
    %jit3A = arith.constant 30 : i32
    %broadcast_in_dim3A_38 = vector.broadcast %jit3A : i32 to vector<30x30xi32>
    %select_n3A = arith.select %eq3A_37, %iota3A_33, %broadcast_in_dim3A_38 : vector<30x30xi1>, vector<30x30xi32>
    %reduce_min3A = arith.constant dense<2147483647> : vector<30xi32>
    %reduce_min3A_39 = vector.multi_reduction <minsi>, %select_n3A, %reduce_min3A [1] : vector<30x30xi32> to vector<30xi32>
    %iota3A_40 = tpu.iota {dimensions = array<i32: 0>} : vector<24x128xi32>
    %iota3A_41 = tpu.iota {dimensions = array<i32: 1>} : vector<24x128xi32>
    %mul3A_42 = arith.constant 128 : i32
    %mul3A_43 = vector.broadcast %mul3A_42 : i32 to vector<24x128xi32>
    %mul3A_44 = arith.muli %iota3A_40, %mul3A_43 : vector<24x128xi32>
    %add3A_45 = arith.addi %mul3A_44, %iota3A_41 : vector<24x128xi32>
    %broadcast_in_dim3A_46 = vector.shape_cast %reduce_sum3A_32 : vector<30xi32> to vector<30x1x1xi32>
    %broadcast_in_dim3A_47 = vector.shape_cast %add3A_45 : vector<24x128xi32> to vector<1x24x128xi32>
    %eq3A_48 = vector.broadcast %broadcast_in_dim3A_46 : vector<30x1x1xi32> to vector<30x24x128xi32>
    %eq3A_49 = vector.broadcast %broadcast_in_dim3A_47 : vector<1x24x128xi32> to vector<30x24x128xi32>
    %eq3A_50 = arith.cmpi eq, %eq3A_48, %eq3A_49 : vector<30x24x128xi32>
    %broadcast_in_dim3A_51 = vector.shape_cast %reduce_min3A_39 : vector<30xi32> to vector<30x1x1xi32>
    %jit3A_52 = arith.constant 30 : i32
    %broadcast_in_dim3A_53 = vector.shape_cast %broadcast_in_dim3A_51 : vector<30x1x1xi32> to vector<30x1x1xi32>
    %broadcast_in_dim3A_54 = vector.broadcast %broadcast_in_dim3A_53 : vector<30x1x1xi32> to vector<30x24x128xi32>
    %broadcast_in_dim3A_55 = vector.broadcast %jit3A_52 : i32 to vector<30x24x128xi32>
    %select_n3A_56 = arith.select %eq3A_50, %broadcast_in_dim3A_54, %broadcast_in_dim3A_55 : vector<30x24x128xi1>, vector<30x24x128xi32>
    %reduce_min3A_57 = arith.constant dense<2147483647> : vector<24x128xi32>
    %reduce_min3A_58 = vector.multi_reduction <minsi>, %select_n3A_56, %reduce_min3A_57 [0] : vector<30x24x128xi32> to vector<24x128xi32>
    %eq3A_59 = arith.constant 30 : i32
    %eq3A_60 = vector.broadcast %eq3A_59 : i32 to vector<24x128xi32>
    %eq3A_61 = arith.cmpi eq, %reduce_min3A_58, %eq3A_60 : vector<24x128xi32>
    %jit3A_62 = arith.constant -1 : i32
    %broadcast_in_dim3A_63 = vector.broadcast %jit3A_62 : i32 to vector<24x128xi32>
    %select_n3A_64 = arith.select %eq3A_61, %broadcast_in_dim3A_63, %reduce_min3A_58 : vector<24x128xi1>, vector<24x128xi32>
    %reshape3A = vector.shape_cast %select_n3A_64 : vector<24x128xi32> to vector<1x3072xi32>
    %swap3A = arith.constant 0 : index
    %swap3A_65 = arith.constant 0 : index
    %swap3A_66 = vector.load %arg2[%swap3A, %swap3A_65] : memref<1x3072xi32, #tpu.memory_space<vmem>>, vector<1x3072xi32>
    tpu.vector_store %arg2[%swap3A, %swap3A_65], %reshape3A {strides = array<i32>} : memref<1x3072xi32, #tpu.memory_space<vmem>>, vector<1x3072xi32>,
    return
  }
}

module attributes {stable_mosaic.version = 14 : i64} {
  func.func @_bounds_body(%arg0: memref<512x24x128xi32, #tpu.memory_space<vmem>>, %arg1: memref<512x30x128xi32, #tpu.memory_space<vmem>>, %arg2: memref<1x32xi32, #tpu.memory_space<vmem>>, %arg3: memref<1x16xf32, #tpu.memory_space<vmem>>, %arg4: memref<16x128xf32, #tpu.memory_space<vmem>>, %arg5: memref<16x128xf32, #tpu.memory_space<vmem>>) attributes {dimension_semantics = [], scalar_prefetch = 0 : i64, scratch_operands = 0 : i64, tpu.core_type = #tpu.core_type<tc>} {
    %get3A = arith.constant 0 : index
    %get3A_0 = arith.constant 0 : index
    %get3A_1 = arith.constant 0 : index
    %get3A_2 = vector.load %arg0[%get3A, %get3A_0, %get3A_1] : memref<512x24x128xi32, #tpu.memory_space<vmem>>, vector<512x24x128xi32>
    %reduce_sum3A = arith.constant dense<0> : vector<24x128xi32>
    %reduce_sum3A_3 = vector.multi_reduction <add>, %get3A_2, %reduce_sum3A [0] : vector<512x24x128xi32> to vector<24x128xi32>
    %iota3A = tpu.iota {dimensions = array<i32: 0>} : vector<128x128xi32>
    %iota3A_4 = tpu.iota {dimensions = array<i32: 1>} : vector<128x128xi32>
    %broadcast_in_dim3A = vector.shape_cast %reduce_sum3A_3 : vector<24x128xi32> to vector<24x128x1xi32>
    %le3A = arith.cmpi sle, %iota3A, %iota3A_4 : vector<128x128xi32>
    %broadcast_in_dim3A_5 = vector.shape_cast %le3A : vector<128x128xi1> to vector<1x128x128xi1>
    %convert_element_type3A = arith.extui %broadcast_in_dim3A_5 : vector<1x128x128xi1> to vector<1x128x128xi32>
    %mul3A = vector.broadcast %broadcast_in_dim3A : vector<24x128x1xi32> to vector<24x128x128xi32>
    %mul3A_6 = vector.broadcast %convert_element_type3A : vector<1x128x128xi32> to vector<24x128x128xi32>
    %mul3A_7 = arith.muli %mul3A, %mul3A_6 : vector<24x128x128xi32>
    %reduce_sum3A_8 = arith.constant dense<0> : vector<24x128xi32>
    %reduce_sum3A_9 = vector.multi_reduction <add>, %mul3A_7, %reduce_sum3A_8 [1] : vector<24x128x128xi32> to vector<24x128xi32>
    %reduce_sum3A_10 = arith.constant dense<0> : vector<24xi32>
    %reduce_sum3A_11 = vector.multi_reduction <add>, %reduce_sum3A_3, %reduce_sum3A_10 [1] : vector<24x128xi32> to vector<24xi32>
    %iota3A_12 = tpu.iota {dimensions = array<i32: 0>} : vector<24x24xi32>
    %iota3A_13 = tpu.iota {dimensions = array<i32: 1>} : vector<24x24xi32>
    %broadcast_in_dim3A_14 = vector.shape_cast %reduce_sum3A_11 : vector<24xi32> to vector<1x24xi32>
    %lt3A = arith.cmpi slt, %iota3A_13, %iota3A_12 : vector<24x24xi32>
    %convert_element_type3A_15 = arith.extui %lt3A : vector<24x24xi1> to vector<24x24xi32>
    %mul3A_16 = vector.broadcast %broadcast_in_dim3A_14 : vector<1x24xi32> to vector<24x24xi32>
    %mul3A_17 = arith.muli %mul3A_16, %convert_element_type3A_15 : vector<24x24xi32>
    %reduce_sum3A_18 = arith.constant dense<0> : vector<24xi32>
    %reduce_sum3A_19 = vector.multi_reduction <add>, %mul3A_17, %reduce_sum3A_18 [1] : vector<24x24xi32> to vector<24xi32>
    %broadcast_in_dim3A_20 = vector.shape_cast %reduce_sum3A_19 : vector<24xi32> to vector<24x1xi32>
    %add3A = vector.broadcast %broadcast_in_dim3A_20 : vector<24x1xi32> to vector<24x128xi32>
    %add3A_21 = arith.addi %reduce_sum3A_9, %add3A : vector<24x128xi32>
    %get3A_22 = arith.constant 0 : index
    %get3A_23 = arith.constant 0 : index
    %get3A_24 = vector.load %arg2[%get3A_22, %get3A_23] : memref<1x32xi32, #tpu.memory_space<vmem>>, vector<1x32xi32>
    %slice3A = vector.extract_strided_slice %get3A_24 {offsets = [0, 0], sizes = [1, 30], strides = [1, 1]} : vector<1x32xi32> to vector<1x30xi32>
    %squeeze3A = vector.shape_cast %slice3A : vector<1x30xi32> to vector<30xi32>
    %broadcast_in_dim3A_25 = vector.shape_cast %add3A_21 : vector<24x128xi32> to vector<1x24x128xi32>
    %broadcast_in_dim3A_26 = vector.shape_cast %squeeze3A : vector<30xi32> to vector<30x1x1xi32>
    %le3A_27 = vector.broadcast %broadcast_in_dim3A_25 : vector<1x24x128xi32> to vector<30x24x128xi32>
    %le3A_28 = vector.broadcast %broadcast_in_dim3A_26 : vector<30x1x1xi32> to vector<30x24x128xi32>
    %le3A_29 = arith.cmpi sle, %le3A_27, %le3A_28 : vector<30x24x128xi32>
    %convert_element_type3A_30 = arith.extui %le3A_29 : vector<30x24x128xi1> to vector<30x24x128xi32>
    %reduce_sum3A_31 = arith.constant dense<0> : vector<30xi32>
    %reduce_sum3A_32 = vector.multi_reduction <add>, %convert_element_type3A_30, %reduce_sum3A_31 [1, 2] : vector<30x24x128xi32> to vector<30xi32>
    %iota3A_33 = tpu.iota {dimensions = array<i32: 1>} : vector<30x30xi32>
    %broadcast_in_dim3A_34 = vector.shape_cast %reduce_sum3A_32 : vector<30xi32> to vector<30x1xi32>
    %broadcast_in_dim3A_35 = vector.shape_cast %reduce_sum3A_32 : vector<30xi32> to vector<1x30xi32>
    %eq3A = vector.broadcast %broadcast_in_dim3A_34 : vector<30x1xi32> to vector<30x30xi32>
    %eq3A_36 = vector.broadcast %broadcast_in_dim3A_35 : vector<1x30xi32> to vector<30x30xi32>
    %eq3A_37 = arith.cmpi eq, %eq3A, %eq3A_36 : vector<30x30xi32>
    %jit3A = arith.constant 30 : i32
    %broadcast_in_dim3A_38 = vector.broadcast %jit3A : i32 to vector<30x30xi32>
    %select_n3A = arith.select %eq3A_37, %iota3A_33, %broadcast_in_dim3A_38 : vector<30x30xi1>, vector<30x30xi32>
    %reduce_min3A = arith.constant dense<2147483647> : vector<30xi32>
    %reduce_min3A_39 = vector.multi_reduction <minsi>, %select_n3A, %reduce_min3A [1] : vector<30x30xi32> to vector<30xi32>
    %iota3A_40 = tpu.iota {dimensions = array<i32: 0>} : vector<24x128xi32>
    %iota3A_41 = tpu.iota {dimensions = array<i32: 1>} : vector<24x128xi32>
    %mul3A_42 = arith.constant 128 : i32
    %mul3A_43 = vector.broadcast %mul3A_42 : i32 to vector<24x128xi32>
    %mul3A_44 = arith.muli %iota3A_40, %mul3A_43 : vector<24x128xi32>
    %add3A_45 = arith.addi %mul3A_44, %iota3A_41 : vector<24x128xi32>
    %sub3A = arith.subi %add3A_21, %reduce_sum3A_3 : vector<24x128xi32>
    %broadcast_in_dim3A_46 = vector.shape_cast %reduce_sum3A_32 : vector<30xi32> to vector<30x1x1xi32>
    %broadcast_in_dim3A_47 = vector.shape_cast %add3A_45 : vector<24x128xi32> to vector<1x24x128xi32>
    %eq3A_48 = vector.broadcast %broadcast_in_dim3A_46 : vector<30x1x1xi32> to vector<30x24x128xi32>
    %eq3A_49 = vector.broadcast %broadcast_in_dim3A_47 : vector<1x24x128xi32> to vector<30x24x128xi32>
    %eq3A_50 = arith.cmpi eq, %eq3A_48, %eq3A_49 : vector<30x24x128xi32>
    %convert_element_type3A_51 = arith.extui %eq3A_50 : vector<30x24x128xi1> to vector<30x24x128xi32>
    %broadcast_in_dim3A_52 = vector.shape_cast %sub3A : vector<24x128xi32> to vector<1x24x128xi32>
    %mul3A_53 = vector.broadcast %broadcast_in_dim3A_52 : vector<1x24x128xi32> to vector<30x24x128xi32>
    %mul3A_54 = arith.muli %convert_element_type3A_51, %mul3A_53 : vector<30x24x128xi32>
    %reduce_sum3A_55 = arith.constant dense<0> : vector<30xi32>
    %reduce_sum3A_56 = vector.multi_reduction <add>, %mul3A_54, %reduce_sum3A_55 [1, 2] : vector<30x24x128xi32> to vector<30xi32>
    %sub3A_57 = arith.subi %squeeze3A, %reduce_sum3A_56 : vector<30xi32>
    %get3A_58 = arith.constant 0 : index
    %get3A_59 = arith.constant 0 : index
    %get3A_60 = arith.constant 0 : index
    %get3A_61 = vector.load %arg1[%get3A_58, %get3A_59, %get3A_60] : memref<512x30x128xi32, #tpu.memory_space<vmem>>, vector<512x30x128xi32>
    %reduce_sum3A_62 = arith.constant dense<0> : vector<30x128xi32>
    %reduce_sum3A_63 = vector.multi_reduction <add>, %get3A_61, %reduce_sum3A_62 [0] : vector<512x30x128xi32> to vector<30x128xi32>
    %iota3A_64 = tpu.iota {dimensions = array<i32: 0>} : vector<128x128xi32>
    %iota3A_65 = tpu.iota {dimensions = array<i32: 1>} : vector<128x128xi32>
    %broadcast_in_dim3A_66 = vector.shape_cast %reduce_sum3A_63 : vector<30x128xi32> to vector<30x128x1xi32>
    %le3A_67 = arith.cmpi sle, %iota3A_64, %iota3A_65 : vector<128x128xi32>
    %broadcast_in_dim3A_68 = vector.shape_cast %le3A_67 : vector<128x128xi1> to vector<1x128x128xi1>
    %convert_element_type3A_69 = arith.extui %broadcast_in_dim3A_68 : vector<1x128x128xi1> to vector<1x128x128xi32>
    %mul3A_70 = vector.broadcast %broadcast_in_dim3A_66 : vector<30x128x1xi32> to vector<30x128x128xi32>
    %mul3A_71 = vector.broadcast %convert_element_type3A_69 : vector<1x128x128xi32> to vector<30x128x128xi32>
    %mul3A_72 = arith.muli %mul3A_70, %mul3A_71 : vector<30x128x128xi32>
    %reduce_sum3A_73 = arith.constant dense<0> : vector<30x128xi32>
    %reduce_sum3A_74 = vector.multi_reduction <add>, %mul3A_72, %reduce_sum3A_73 [1] : vector<30x128x128xi32> to vector<30x128xi32>
    %iota3A_75 = tpu.iota {dimensions = array<i32: 1>} : vector<30x30xi32>
    %broadcast_in_dim3A_76 = vector.shape_cast %reduce_min3A_39 : vector<30xi32> to vector<30x1xi32>
    %eq3A_77 = vector.broadcast %broadcast_in_dim3A_76 : vector<30x1xi32> to vector<30x30xi32>
    %eq3A_78 = arith.cmpi eq, %eq3A_77, %iota3A_75 : vector<30x30xi32>
    %convert_element_type3A_79 = arith.extui %eq3A_78 : vector<30x30xi1> to vector<30x30xi32>
    %broadcast_in_dim3A_80 = vector.shape_cast %convert_element_type3A_79 : vector<30x30xi32> to vector<30x30x1xi32>
    %broadcast_in_dim3A_81 = vector.shape_cast %reduce_sum3A_74 : vector<30x128xi32> to vector<1x30x128xi32>
    %mul3A_82 = vector.broadcast %broadcast_in_dim3A_80 : vector<30x30x1xi32> to vector<30x30x128xi32>
    %mul3A_83 = vector.broadcast %broadcast_in_dim3A_81 : vector<1x30x128xi32> to vector<30x30x128xi32>
    %mul3A_84 = arith.muli %mul3A_82, %mul3A_83 : vector<30x30x128xi32>
    %reduce_sum3A_85 = arith.constant dense<0> : vector<30x128xi32>
    %reduce_sum3A_86 = vector.multi_reduction <add>, %mul3A_84, %reduce_sum3A_85 [1] : vector<30x30x128xi32> to vector<30x128xi32>
    %broadcast_in_dim3A_87 = vector.shape_cast %sub3A_57 : vector<30xi32> to vector<30x1xi32>
    %le3A_88 = vector.broadcast %broadcast_in_dim3A_87 : vector<30x1xi32> to vector<30x128xi32>
    %le3A_89 = arith.cmpi sle, %reduce_sum3A_86, %le3A_88 : vector<30x128xi32>
    %convert_element_type3A_90 = arith.extui %le3A_89 : vector<30x128xi1> to vector<30x128xi32>
    %reduce_sum3A_91 = arith.constant dense<0> : vector<30xi32>
    %reduce_sum3A_92 = vector.multi_reduction <add>, %convert_element_type3A_90, %reduce_sum3A_91 [1] : vector<30x128xi32> to vector<30xi32>
    %shift_left3A = arith.constant 14 : i32
    %shift_left3A_93 = vector.broadcast %shift_left3A : i32 to vector<30xi32>
    %shift_left3A_94 = arith.shli %reduce_sum3A_32, %shift_left3A_93 : vector<30xi32>
    %add3A_95 = arith.constant 1015021568 : i32
    %add3A_96 = vector.broadcast %add3A_95 : i32 to vector<30xi32>
    %add3A_97 = arith.addi %add3A_96, %shift_left3A_94 : vector<30xi32>
    %shift_left3A_98 = arith.constant 7 : i32
    %shift_left3A_99 = vector.broadcast %shift_left3A_98 : i32 to vector<30xi32>
    %shift_left3A_100 = arith.shli %reduce_sum3A_92, %shift_left3A_99 : vector<30xi32>
    %add3A_101 = arith.addi %add3A_97, %shift_left3A_100 : vector<30xi32>
    %add3A_102 = arith.constant 64 : i32
    %add3A_103 = vector.broadcast %add3A_102 : i32 to vector<30xi32>
    %add3A_104 = arith.addi %add3A_101, %add3A_103 : vector<30xi32>
    %bitcast_convert_type3A = tpu.bitcast %add3A_104 : vector<30xi32> -> vector<30xf32>
    %slice3A_105 = vector.extract_strided_slice %bitcast_convert_type3A {offsets = [2], sizes = [14], strides = [1]} : vector<30xf32> to vector<14xf32>
    %slice3A_106 = vector.extract_strided_slice %bitcast_convert_type3A {offsets = [16], sizes = [14], strides = [1]} : vector<30xf32> to vector<14xf32>
    %get3A_107 = arith.constant 0 : index
    %get3A_108 = arith.constant 0 : index
    %get3A_109 = vector.load %arg3[%get3A_107, %get3A_108] : memref<1x16xf32, #tpu.memory_space<vmem>>, vector<1x16xf32>
    %slice3A_110 = vector.extract_strided_slice %get3A_109 {offsets = [0, 0], sizes = [1, 14], strides = [1, 1]} : vector<1x16xf32> to vector<1x14xf32>
    %squeeze3A_111 = vector.shape_cast %slice3A_110 : vector<1x14xf32> to vector<14xf32>
    %sub3A_112 = arith.subf %slice3A_106, %slice3A_105 : vector<14xf32>
    %mul3A_113 = arith.mulf %squeeze3A_111, %sub3A_112 : vector<14xf32>
    %add3A_114 = arith.addf %slice3A_105, %mul3A_113 : vector<14xf32>
    %slice3A_115 = vector.extract_strided_slice %bitcast_convert_type3A {offsets = [0], sizes = [1], strides = [1]} : vector<30xf32> to vector<1xf32>
    %slice3A_116 = vector.extract_strided_slice %bitcast_convert_type3A {offsets = [1], sizes = [1], strides = [1]} : vector<30xf32> to vector<1xf32>
    %concatenate3A = tpu.concatenate %slice3A_115, %add3A_114, %slice3A_116 in 0 : vector<1xf32>, vector<14xf32>, vector<1xf32> -> vector<16xf32>
    %slice3A_117 = vector.extract_strided_slice %concatenate3A {offsets = [0], sizes = [15], strides = [1]} : vector<16xf32> to vector<15xf32>
    %broadcast_in_dim3A_118 = arith.constant 0x7F800000 : f32
    %broadcast_in_dim3A_119 = vector.broadcast %broadcast_in_dim3A_118 : f32 to vector<1xf32>
    %concatenate3A_120 = tpu.concatenate %slice3A_117, %broadcast_in_dim3A_119 in 0 : vector<15xf32>, vector<1xf32> -> vector<16xf32>
    %slice3A_121 = vector.extract_strided_slice %concatenate3A {offsets = [1], sizes = [15], strides = [1]} : vector<16xf32> to vector<15xf32>
    %broadcast_in_dim3A_122 = arith.constant 0xFF800000 : f32
    %broadcast_in_dim3A_123 = vector.broadcast %broadcast_in_dim3A_122 : f32 to vector<1xf32>
    %concatenate3A_124 = tpu.concatenate %slice3A_121, %broadcast_in_dim3A_123 in 0 : vector<15xf32>, vector<1xf32> -> vector<16xf32>
    %iota3A_125 = tpu.iota {dimensions = array<i32: 0>} : vector<16x16xi32>
    %iota3A_126 = tpu.iota {dimensions = array<i32: 1>} : vector<16x16xi32>
    %eq3A_127 = arith.cmpi eq, %iota3A_126, %iota3A_125 : vector<16x16xi32>
    %broadcast_in_dim3A_128 = vector.shape_cast %concatenate3A_120 : vector<16xf32> to vector<1x16xf32>
    %jit3A_129 = arith.constant 0.000000e+00 : f32
    %broadcast_in_dim3A_130 = vector.shape_cast %broadcast_in_dim3A_128 : vector<1x16xf32> to vector<1x16xf32>
    %broadcast_in_dim3A_131 = vector.broadcast %broadcast_in_dim3A_130 : vector<1x16xf32> to vector<16x16xf32>
    %broadcast_in_dim3A_132 = vector.broadcast %jit3A_129 : f32 to vector<16x16xf32>
    %select_n3A_133 = arith.select %eq3A_127, %broadcast_in_dim3A_131, %broadcast_in_dim3A_132 : vector<16x16xi1>, vector<16x16xf32>
    %reduce_sum3A_134 = arith.constant dense<0.000000e+00> : vector<16xf32>
    %reduce_sum3A_135 = vector.multi_reduction <add>, %select_n3A_133, %reduce_sum3A_134 [1] : vector<16x16xf32> to vector<16xf32>
    %broadcast_in_dim3A_136 = vector.shape_cast %reduce_sum3A_135 : vector<16xf32> to vector<16x1xf32>
    %broadcast_in_dim3A_137 = vector.shape_cast %concatenate3A_124 : vector<16xf32> to vector<1x16xf32>
    %jit3A_138 = arith.constant 0.000000e+00 : f32
    %broadcast_in_dim3A_139 = vector.shape_cast %broadcast_in_dim3A_137 : vector<1x16xf32> to vector<1x16xf32>
    %broadcast_in_dim3A_140 = vector.broadcast %broadcast_in_dim3A_139 : vector<1x16xf32> to vector<16x16xf32>
    %broadcast_in_dim3A_141 = vector.broadcast %jit3A_138 : f32 to vector<16x16xf32>
    %select_n3A_142 = arith.select %eq3A_127, %broadcast_in_dim3A_140, %broadcast_in_dim3A_141 : vector<16x16xi1>, vector<16x16xf32>
    %reduce_sum3A_143 = arith.constant dense<0.000000e+00> : vector<16xf32>
    %reduce_sum3A_144 = vector.multi_reduction <add>, %select_n3A_142, %reduce_sum3A_143 [1] : vector<16x16xf32> to vector<16xf32>
    %broadcast_in_dim3A_145 = vector.shape_cast %reduce_sum3A_144 : vector<16xf32> to vector<16x1xf32>
    %broadcast_in_dim3A_146 = vector.shape_cast %broadcast_in_dim3A_136 : vector<16x1xf32> to vector<16x1xf32>
    %broadcast_in_dim3A_147 = vector.broadcast %broadcast_in_dim3A_146 : vector<16x1xf32> to vector<16x128xf32>
    %swap3A = arith.constant 0 : index
    %swap3A_148 = arith.constant 0 : index
    %swap3A_149 = vector.load %arg4[%swap3A, %swap3A_148] : memref<16x128xf32, #tpu.memory_space<vmem>>, vector<16x128xf32>
    tpu.vector_store %arg4[%swap3A, %swap3A_148], %broadcast_in_dim3A_147 {strides = array<i32>} : memref<16x128xf32, #tpu.memory_space<vmem>>, vector<16x128xf32>,
    %broadcast_in_dim3A_150 = vector.shape_cast %broadcast_in_dim3A_145 : vector<16x1xf32> to vector<16x1xf32>
    %broadcast_in_dim3A_151 = vector.broadcast %broadcast_in_dim3A_150 : vector<16x1xf32> to vector<16x128xf32>
    %swap3A_152 = arith.constant 0 : index
    %swap3A_153 = arith.constant 0 : index
    %swap3A_154 = vector.load %arg5[%swap3A_152, %swap3A_153] : memref<16x128xf32, #tpu.memory_space<vmem>>, vector<16x128xf32>
    tpu.vector_store %arg5[%swap3A_152, %swap3A_153], %broadcast_in_dim3A_151 {strides = array<i32>} : memref<16x128xf32, #tpu.memory_space<vmem>>, vector<16x128xf32>,
    return
  }
}

module attributes {stable_mosaic.version = 14 : i64} {
  func.func @_ece_body(%arg0: i32, %arg1: memref<16x128xf32, #tpu.memory_space<vmem>>, %arg2: memref<16x128xf32, #tpu.memory_space<vmem>>, %arg3: memref<1x1x8000xf32, #tpu.memory_space<vmem>>, %arg4: memref<1x1x8000xf32, #tpu.memory_space<vmem>>, %arg5: memref<1x1xf32, #tpu.memory_space<smem>>, %arg6: memref<16x8000xf32, #tpu.memory_space<vmem>>, %arg7: memref<16x8000xf32, #tpu.memory_space<vmem>>, %arg8: memref<16x8000xf32, #tpu.memory_space<vmem>>) attributes {dimension_semantics = [#tpu.dimension_semantics<arbitrary>], iteration_bounds = array<i64: 125>, scalar_prefetch = 0 : i64, scratch_operands = 3 : i64, tpu.core_type = #tpu.core_type<tc>, window_params = [{pipeline_mode = #tpu.pipeline_mode<synchronous>, transform_indices = @transform_0, window_bounds = array<i64: 16, 128>}, {pipeline_mode = #tpu.pipeline_mode<synchronous>, transform_indices = @transform_1, window_bounds = array<i64: 16, 128>}, {transform_indices = @transform_2, window_bounds = array<i64: 1, 1, 8000>}, {transform_indices = @transform_3, window_bounds = array<i64: 1, 1, 8000>}, {transform_indices = @transform_4, window_bounds = array<i64: 1, 1>}]} {
    %eq3A = arith.constant 0 : i32
    %eq3A_0 = arith.cmpi eq, %arg0, %eq3A : i32
    %convert_element_type3A = arith.extui %eq3A_0 : i1 to i32
    %cond3A = arith.constant 0 : i32
    %cond3A_1 = arith.cmpi ne, %convert_element_type3A, %cond3A : i32
    scf.if %cond3A_1 {
      %broadcast_in_dim3A = arith.constant 0.000000e+00 : f32
      %broadcast_in_dim3A_50 = vector.broadcast %broadcast_in_dim3A : f32 to vector<16x8000xf32>
      %swap3A_51 = arith.constant 0 : index
      %swap3A_52 = arith.constant 0 : index
      %swap3A_53 = vector.load %arg6[%swap3A_51, %swap3A_52] : memref<16x8000xf32, #tpu.memory_space<vmem>>, vector<16x8000xf32>
      tpu.vector_store %arg6[%swap3A_51, %swap3A_52], %broadcast_in_dim3A_50 {strides = array<i32>} : memref<16x8000xf32, #tpu.memory_space<vmem>>, vector<16x8000xf32>,
      %broadcast_in_dim3A_54 = arith.constant 0.000000e+00 : f32
      %broadcast_in_dim3A_55 = vector.broadcast %broadcast_in_dim3A_54 : f32 to vector<16x8000xf32>
      %swap3A_56 = arith.constant 0 : index
      %swap3A_57 = arith.constant 0 : index
      %swap3A_58 = vector.load %arg7[%swap3A_56, %swap3A_57] : memref<16x8000xf32, #tpu.memory_space<vmem>>, vector<16x8000xf32>
      tpu.vector_store %arg7[%swap3A_56, %swap3A_57], %broadcast_in_dim3A_55 {strides = array<i32>} : memref<16x8000xf32, #tpu.memory_space<vmem>>, vector<16x8000xf32>,
      %broadcast_in_dim3A_59 = arith.constant 0.000000e+00 : f32
      %broadcast_in_dim3A_60 = vector.broadcast %broadcast_in_dim3A_59 : f32 to vector<16x8000xf32>
      %swap3A_61 = arith.constant 0 : index
      %swap3A_62 = arith.constant 0 : index
      %swap3A_63 = vector.load %arg8[%swap3A_61, %swap3A_62] : memref<16x8000xf32, #tpu.memory_space<vmem>>, vector<16x8000xf32>
      tpu.vector_store %arg8[%swap3A_61, %swap3A_62], %broadcast_in_dim3A_60 {strides = array<i32>} : memref<16x8000xf32, #tpu.memory_space<vmem>>, vector<16x8000xf32>,
    } else {
    }
    %get3A = arith.constant 0 : index
    %get3A_2 = arith.constant 0 : index
    %get3A_3 = arith.constant 0 : index
    %get3A_4 = vector.load %arg3[%get3A, %get3A_2, %get3A_3] : memref<1x1x8000xf32, #tpu.memory_space<vmem>>, vector<1x1x8000xf32>
    %reshape3A = vector.shape_cast %get3A_4 : vector<1x1x8000xf32> to vector<1x8000xf32>
    %get3A_5 = arith.constant 0 : index
    %get3A_6 = arith.constant 0 : index
    %get3A_7 = arith.constant 0 : index
    %get3A_8 = vector.load %arg4[%get3A_5, %get3A_6, %get3A_7] : memref<1x1x8000xf32, #tpu.memory_space<vmem>>, vector<1x1x8000xf32>
    %reshape3A_9 = vector.shape_cast %get3A_8 : vector<1x1x8000xf32> to vector<1x8000xf32>
    %get3A_10 = arith.constant 0 : index
    %get3A_11 = arith.constant 0 : index
    %get3A_12 = vector.load %arg1[%get3A_10, %get3A_11] : memref<16x128xf32, #tpu.memory_space<vmem>>, vector<16x128xf32>
    %slice3A = vector.extract_strided_slice %get3A_12 {offsets = [0, 0], sizes = [16, 1], strides = [1, 1]} : vector<16x128xf32> to vector<16x1xf32>
    %get3A_13 = arith.constant 0 : index
    %get3A_14 = arith.constant 0 : index
    %get3A_15 = vector.load %arg2[%get3A_13, %get3A_14] : memref<16x128xf32, #tpu.memory_space<vmem>>, vector<16x128xf32>
    %slice3A_16 = vector.extract_strided_slice %get3A_15 {offsets = [0, 0], sizes = [16, 1], strides = [1, 1]} : vector<16x128xf32> to vector<16x1xf32>
    %gt3A = vector.broadcast %reshape3A : vector<1x8000xf32> to vector<16x8000xf32>
    %gt3A_17 = vector.broadcast %slice3A : vector<16x1xf32> to vector<16x8000xf32>
    %gt3A_18 = arith.cmpf ogt, %gt3A, %gt3A_17 : vector<16x8000xf32>
    %le3A = vector.broadcast %reshape3A : vector<1x8000xf32> to vector<16x8000xf32>
    %le3A_19 = vector.broadcast %slice3A_16 : vector<16x1xf32> to vector<16x8000xf32>
    %le3A_20 = arith.cmpf ole, %le3A, %le3A_19 : vector<16x8000xf32>
    %and3A = arith.andi %gt3A_18, %le3A_20 : vector<16x8000xi1>
    %convert_element_type3A_21 = arith.extui %and3A : vector<16x8000xi1> to vector<16x8000xi32>
    %convert_element_type3A_22 = arith.sitofp %convert_element_type3A_21 : vector<16x8000xi32> to vector<16x8000xf32>
    %get3A_23 = arith.constant 0 : index
    %get3A_24 = arith.constant 0 : index
    %get3A_25 = vector.load %arg6[%get3A_23, %get3A_24] : memref<16x8000xf32, #tpu.memory_space<vmem>>, vector<16x8000xf32>
    %add3A = arith.addf %get3A_25, %convert_element_type3A_22 : vector<16x8000xf32>
    %swap3A = arith.constant 0 : index
    %swap3A_26 = arith.constant 0 : index
    %swap3A_27 = vector.load %arg6[%swap3A, %swap3A_26] : memref<16x8000xf32, #tpu.memory_space<vmem>>, vector<16x8000xf32>
    tpu.vector_store %arg6[%swap3A, %swap3A_26], %add3A {strides = array<i32>} : memref<16x8000xf32, #tpu.memory_space<vmem>>, vector<16x8000xf32>,
    %get3A_28 = arith.constant 0 : index
    %get3A_29 = arith.constant 0 : index
    %get3A_30 = vector.load %arg7[%get3A_28, %get3A_29] : memref<16x8000xf32, #tpu.memory_space<vmem>>, vector<16x8000xf32>
    %mul3A = vector.broadcast %reshape3A : vector<1x8000xf32> to vector<16x8000xf32>
    %mul3A_31 = arith.mulf %convert_element_type3A_22, %mul3A : vector<16x8000xf32>
    %add3A_32 = arith.addf %get3A_30, %mul3A_31 : vector<16x8000xf32>
    %swap3A_33 = arith.constant 0 : index
    %swap3A_34 = arith.constant 0 : index
    %swap3A_35 = vector.load %arg7[%swap3A_33, %swap3A_34] : memref<16x8000xf32, #tpu.memory_space<vmem>>, vector<16x8000xf32>
    tpu.vector_store %arg7[%swap3A_33, %swap3A_34], %add3A_32 {strides = array<i32>} : memref<16x8000xf32, #tpu.memory_space<vmem>>, vector<16x8000xf32>,
    %get3A_36 = arith.constant 0 : index
    %get3A_37 = arith.constant 0 : index
    %get3A_38 = vector.load %arg8[%get3A_36, %get3A_37] : memref<16x8000xf32, #tpu.memory_space<vmem>>, vector<16x8000xf32>
    %mul3A_39 = vector.broadcast %reshape3A_9 : vector<1x8000xf32> to vector<16x8000xf32>
    %mul3A_40 = arith.mulf %convert_element_type3A_22, %mul3A_39 : vector<16x8000xf32>
    %add3A_41 = arith.addf %get3A_38, %mul3A_40 : vector<16x8000xf32>
    %swap3A_42 = arith.constant 0 : index
    %swap3A_43 = arith.constant 0 : index
    %swap3A_44 = vector.load %arg8[%swap3A_42, %swap3A_43] : memref<16x8000xf32, #tpu.memory_space<vmem>>, vector<16x8000xf32>
    tpu.vector_store %arg8[%swap3A_42, %swap3A_43], %add3A_41 {strides = array<i32>} : memref<16x8000xf32, #tpu.memory_space<vmem>>, vector<16x8000xf32>,
    %eq3A_45 = arith.constant 124 : i32
    %eq3A_46 = arith.cmpi eq, %arg0, %eq3A_45 : i32
    %convert_element_type3A_47 = arith.extui %eq3A_46 : i1 to i32
    %cond3A_48 = arith.constant 0 : i32
    %cond3A_49 = arith.cmpi ne, %convert_element_type3A_47, %cond3A_48 : i32
    scf.if %cond3A_49 {
      %get3A_50 = arith.constant 0 : index
      %get3A_51 = arith.constant 0 : index
      %get3A_52 = vector.load %arg6[%get3A_50, %get3A_51] : memref<16x8000xf32, #tpu.memory_space<vmem>>, vector<16x8000xf32>
      %reduce_sum3A = arith.constant dense<0.000000e+00> : vector<16xf32>
      %reduce_sum3A_53 = vector.multi_reduction <add>, %get3A_52, %reduce_sum3A [1] : vector<16x8000xf32> to vector<16xf32>
      %get3A_54 = arith.constant 0 : index
      %get3A_55 = arith.constant 0 : index
      %get3A_56 = vector.load %arg7[%get3A_54, %get3A_55] : memref<16x8000xf32, #tpu.memory_space<vmem>>, vector<16x8000xf32>
      %reduce_sum3A_57 = arith.constant dense<0.000000e+00> : vector<16xf32>
      %reduce_sum3A_58 = vector.multi_reduction <add>, %get3A_56, %reduce_sum3A_57 [1] : vector<16x8000xf32> to vector<16xf32>
      %get3A_59 = arith.constant 0 : index
      %get3A_60 = arith.constant 0 : index
      %get3A_61 = vector.load %arg8[%get3A_59, %get3A_60] : memref<16x8000xf32, #tpu.memory_space<vmem>>, vector<16x8000xf32>
      %reduce_sum3A_62 = arith.constant dense<0.000000e+00> : vector<16xf32>
      %reduce_sum3A_63 = vector.multi_reduction <add>, %get3A_61, %reduce_sum3A_62 [1] : vector<16x8000xf32> to vector<16xf32>
      %max3A = arith.constant 1.000000e+00 : f32
      %max3A_64 = vector.broadcast %max3A : f32 to vector<16xf32>
      %max3A_65 = arith.maximumf %reduce_sum3A_53, %max3A_64 : vector<16xf32>
      %div3A = arith.divf %reduce_sum3A_58, %max3A_65 : vector<16xf32>
      %div3A_66 = arith.divf %reduce_sum3A_63, %max3A_65 : vector<16xf32>
      %sub3A = arith.subf %div3A, %div3A_66 : vector<16xf32>
      %abs3A = math.absf %sub3A : vector<16xf32>
      %div3A_67 = arith.constant 1.000000e+06 : f32
      %div3A_68 = vector.broadcast %div3A_67 : f32 to vector<16xf32>
      %div3A_69 = arith.divf %reduce_sum3A_53, %div3A_68 : vector<16xf32>
      %mul3A_70 = arith.mulf %abs3A, %div3A_69 : vector<16xf32>
      %gt3A_71 = arith.constant 0.000000e+00 : f32
      %gt3A_72 = vector.broadcast %gt3A_71 : f32 to vector<16xf32>
      %gt3A_73 = arith.cmpf ogt, %reduce_sum3A_53, %gt3A_72 : vector<16xf32>
      %jit3A = arith.constant 0.000000e+00 : f32
      %broadcast_in_dim3A = vector.broadcast %jit3A : f32 to vector<16xf32>
      %select_n3A = arith.select %gt3A_73, %mul3A_70, %broadcast_in_dim3A : vector<16xi1>, vector<16xf32>
      %reduce_sum3A_74 = vector.shape_cast %select_n3A : vector<16xf32> to vector<1x16xf32>
      %reduce_sum3A_75 = arith.constant dense<0.000000e+00> : vector<1xf32>
      %reduce_sum3A_76 = vector.multi_reduction <add>, %reduce_sum3A_74, %reduce_sum3A_75 [1] : vector<1x16xf32> to vector<1xf32>
      %reduce_sum3A_77 = vector.shape_cast %reduce_sum3A_76 : vector<1xf32> to vector<1x1xf32>
      %reduce_sum3A_78 = vector.extract %reduce_sum3A_77[0, 0] : f32 from vector<1x1xf32>
      %swap3A_79 = arith.constant 0 : index
      %swap3A_80 = arith.constant 0 : index
      %swap3A_81 = memref.load %arg5[%swap3A_79, %swap3A_80] : memref<1x1xf32, #tpu.memory_space<smem>>
      memref.store %reduce_sum3A_78, %arg5[%swap3A_79, %swap3A_80] : memref<1x1xf32, #tpu.memory_space<smem>>
    } else {
    }
    return
  }
  func.func @transform_0(%arg0: i32) -> (i32, i32) {
    %c0_i32 = arith.constant 0 : i32
    %c0_i32_0 = arith.constant 0 : i32
    %c0_i32_1 = arith.constant 0 : i32
    return %c0_i32, %c0_i32_0 : i32, i32
  }
  func.func @transform_1(%arg0: i32) -> (i32, i32) {
    %c0_i32 = arith.constant 0 : i32
    %c0_i32_0 = arith.constant 0 : i32
    %c0_i32_1 = arith.constant 0 : i32
    return %c0_i32, %c0_i32_0 : i32, i32
  }
  func.func @transform_2(%arg0: i32) -> (i32, i32, i32) {
    %c0_i32 = arith.constant 0 : i32
    %c0_i32_0 = arith.constant 0 : i32
    %c0_i32_1 = arith.constant 0 : i32
    return %arg0, %c0_i32, %c0_i32_0 : i32, i32, i32
  }
  func.func @transform_3(%arg0: i32) -> (i32, i32, i32) {
    %c0_i32 = arith.constant 0 : i32
    %c0_i32_0 = arith.constant 0 : i32
    %c0_i32_1 = arith.constant 0 : i32
    return %arg0, %c0_i32, %c0_i32_0 : i32, i32, i32
  }
  func.func @transform_4(%arg0: i32) -> (i32, i32) {
    %c0_i32 = arith.constant 0 : i32
    %c0_i32_0 = arith.constant 0 : i32
    %c0_i32_1 = arith.constant 0 : i32
    return %c0_i32, %c0_i32_0 : i32, i32
  }
}

</mosaic_0001>

<sc_bundles>
// kernel: kernel.11.cloned.1.call-start
scs
__scs_entry_jumppad:
0x0: {  	(pc) =	sbr.rel $0x88, $3  }
0x1: {  	(tag) =	ssettag $0x0;
	lr =	simm.s32 $0x1  }
0x2: {  	[smem:$0x3F9F] =	sst lr;
	_ =	strace $0xD0000000  }
0x3: {  	_ = 	snop  }
0x4: {  	_ = 	snop  }
0x5: {  	_ = 	snop  }
0x6: {  	_ = 	snop  }
0x7: {  	_ = 	snop  }
__scs_overlays_trampoline_lowered:
0x8: {  	[smem:$0x3FAE] =	sst s0  }
0x9: {  	[smem:$0x3FAF] =	sst s1  }
0xa: {  	[smem:$0x3FB0] =	sst s2  }
0xb: {  	[smem:$0x3FB1] =	sst s3  }
0xc: {  	[smem:$0x3FB2] =	sst s4  }
0xd: {  	[smem:$0x3FB3] =	sst s5  }
0xe: {  	[smem:$0x3FB4] =	sst s6  }
0xf: {  	[smem:$0x3FB5] =	sst s7  }
0x10: {  	[smem:$0x3FB6] =	sst s8  }
0x11: {  	[smem:$0x3FB7] =	sst s9;
	s0 =	simm.s32 @!p0 $0x0  }
0x12: {  	s1 =	sld [smem:$0x3F9D];
	s0 =	simm.s32 @p0 $0x1  }
0x13: {  	[smem:$0x3FB8] =	sst s0;
	s0 =	simm.s32 @!p1 $0x0  }
0x14: {  	s2 =	sld [smem:$0x3F9C];
	s0 =	simm.s32 @p1 $0x1  }
0x15: {  	[smem:$0x3FB9] =	sst s0;
	s0 =	simm.s32 @!p2 $0x0  }
0x16: {  	s3 =	sld [smem:$0x3FDB];
	s0 =	simm.s32 @p2 $0x1  }
0x17: {  	s4 =	simm.s32 $0x1BF5;
	[smem:$0x3FBB] =	sst s0  }
0x18: {  	s0 =	sld [smem:$0x3F9E];
	_ =	swait.ge [sflag:s4], $0x0  }
0x19: {  	s7 =	sld [smem:$0x3F9F]  }
0x1a: {  	s8 =	sadd.s32 $0xFFFFE003, lr  }
0x1b: {  	s9 =	sadd.s32 $0xFFFFFEF7, lr;
	s5 =	simm.s32 $0xFFFFFFFF;
	p2 =	slt.u32 s8, $0xFFFFF086  }
0x1c: {  	p1 =	slt.u32 s9, $0xF7A;
	s5 =	simm.s32 @!p2 $0x0  }
0x1d: {  	s5 =	simm.s32 @p1 $0x1;
	p0 =	seq.s32 s7, s2  }
0x1e: {  	s7 =	smul.u32 @!p0 $0xF7A, s2;
	p2 =	seq.s32 @!p0 s5, $0x0  }
0x1f: {  	s9 =	smul.u32 $0xF7A, s1;
	s8 =	simm.s32 @!p0 $0x1BF5;
	p2 =	por !p2, p0  }
0x20: {  	[sflag:s8] =	ssyncset.s32 @!p0 $0xFFFFF086;
	s6 =	sadd.s32 @!p0 s3, s7;
	s7 =	simm.s32 @!p0 $0x108  }
0x21: {  	s3 =	sadd.s32 s3, s9;
	s6 =	sadd.s32 @!p0 $0x88, s6;
	s7 =	simm.s32 @p2 $0x1082  }
0x22: {  	[simem:s7], [sflag:s8] =	dma.local @!p0 [hbm:s6], $0xF7A  }
0x23: {  	s9 =	sor.u32 $0xD0000000, s2;
	s6 =	simm.s32 $0x108;
	_ =	swait.ge @!p0 [sflag:s8], $0x0  }
0x24: {  	s3 =	sadd.s32 $0x88, s3;
	s6 =	simm.s32 @!p1 $0x1082;
	[sflag:s4] =	ssyncset.s32 $0xFFFFF086  }
0x25: {  	[simem:s6], [sflag:s4] =	dma.local [hbm:s3], $0xF7A  }
0x26: {  	[smem:$0x3F9F] =	sst s1;
	(tag) =	ssettag s2;
	_ =	strace s9  }
0x27: {  	s1 =	sld [smem:$0x3FAF]  }
0x28: {  	s2 =	sld [smem:$0x3FB0]  }
0x29: {  	s4 =	sld [smem:$0x3FB2]  }
0x2a: {  	p0 =	seq.s32 s5, $0x0;
	s5 =	sld [smem:$0x3FB3]  }
0x2b: {  	s6 =	sld [smem:$0x3FB4]  }
0x2c: {  	s7 =	sld [smem:$0x3FB5]  }
0x2d: {  	s3 =	simm.s32 $0x108;
	s8 =	sld [smem:$0x3FB6]  }
0x2e: {  	s3 =	simm.s32 @!p0 $0x1082;
	s9 =	sld [smem:$0x3FB7]  }
0x2f: {  	lr =	sadd.s32 s0, s3;
	s0 =	sld [smem:$0x3FAE]  }
0x30: {  	s3 =	sld [smem:$0x3FB1]  }
0x31: {  	[smem:$0x3FBA] =	sst s10  }
0x32: {  	s10 =	sld [smem:$0x3FB8];
	_ =	sdelay $0x3  }
0x33: {  	p0 =	seq.s32 s10, $0x1;
	s10 =	sld [smem:$0x3FBA];
	_ =	sdelay $0x3  }
0x34: {  	[smem:$0x3FBA] =	sst s10  }
0x35: {  	s10 =	sld [smem:$0x3FB9];
	_ =	sdelay $0x3  }
0x36: {  	p1 =	seq.s32 s10, $0x1;
	s10 =	sld [smem:$0x3FBA];
	_ =	sdelay $0x3  }
0x37: {  	[smem:$0x3FBA] =	sst s10  }
0x38: {  	s10 =	sld [smem:$0x3FBB]  }
0x39: {  	_ = 	snop;
	(pc) =	sbr.ind lr, $3  }
0x3a: {  	_ = 	snop  }
0x3b: {  	_ = 	snop  }
0x3c: {  	p2 =	seq.s32 s10, $0x1;
	s10 =	sld [smem:$0x3FBA]  }
0x3d: {  	_ =	shalt  }
0x3e: {  	_ =	shalt  }
0x3f: {  	_ =	shalt  }
0x40: {  	_ =	shalt  }
0x41: {  	_ =	shalt  }
0x42: {  	_ =	shalt  }
0x43: {  	_ =	shalt  }
0x44: {  	_ =	shalt  }
0x45: {  	_ =	shalt  }
0x46: {  	_ =	shalt  }
0x47: {  	_ =	shalt  }
0x48: {  	_ =	shalt  }
0x49: {  	_ =	shalt  }
0x4a: {  	_ =	shalt  }
0x4b: {  	_ =	shalt  }
0x4c: {  	_ =	shalt  }
0x4d: {  	_ =	shalt  }
0x4e: {  	_ =	shalt  }
0x4f: {  	_ =	shalt  }
0x50: {  	_ =	shalt  }
0x51: {  	_ =	shalt  }
0x52: {  	_ =	shalt  }
0x53: {  	_ =	shalt  }
0x54: {  	_ =	shalt  }
0x55: {  	_ =	shalt  }
0x56: {  	_ =	shalt  }
0x57: {  	_ =	shalt  }
0x58: {  	_ =	shalt  }
0x59: {  	_ =	shalt  }
0x5a: {  	_ =	shalt  }
0x5b: {  	_ =	shalt  }
0x5c: {  	_ =	shalt  }
0x5d: {  	_ =	shalt  }
0x5e: {  	_ =	shalt  }
0x5f: {  	_ =	shalt  }
0x60: {  	_ =	shalt  }
0x61: {  	_ =	shalt  }
0x62: {  	_ =	shalt  }
0x63: {  	_ =	shalt  }
0x64: {  	_ =	shalt  }
0x65: {  	_ =	shalt  }
0x66: {  	_ =	shalt  }
0x67: {  	_ =	shalt  }
0x68: {  	_ =	shalt  }
0x69: {  	_ =	shalt  }
0x6a: {  	_ =	shalt  }
0x6b: {  	_ =	shalt  }
0x6c: {  	_ =	shalt  }
0x6d: {  	_ =	shalt  }
0x6e: {  	_ =	shalt  }
0x6f: {  	_ =	shalt  }
0x70: {  	_ =	shalt  }
0x71: {  	_ =	shalt  }
0x72: {  	_ =	shalt  }
0x73: {  	_ =	shalt  }
0x74: {  	_ =	shalt  }
0x75: {  	_ =	shalt  }
0x76: {  	_ =	shalt  }
0x77: {  	_ =	shalt  }
0x78: {  	_ =	shalt  }
0x79: {  	_ =	shalt  }
0x7a: {  	_ =	shalt  }
0x7b: {  	_ =	shalt  }
0x7c: {  	_ =	shalt  }
0x7d: {  	_ =	shalt  }
0x7e: {  	_ =	shalt  }
0x7f: {  	_ =	shalt  }
0x80: {  	_ =	shalt  }
0x81: {  	_ =	shalt  }
0x82: {  	_ =	shalt  }
0x83: {  	_ =	shalt  }
0x84: {  	_ =	shalt  }
0x85: {  	_ =	shalt  }
0x86: {  	_ =	shalt  }
0x87: {  	_ =	shalt  }
.Lfunc_end0:
.L_simem_size_0:
called_computation.1_lowered:
.L_overlay_start_0:
0x88: {  	s2 =	sld [smem:$0x3FD9]  }
0x89: {  	s3 =	sld [smem:$0x3FFE];
	_ =	sdelay $0x1  }
0x8a: {  	s1 =	srdreg.scid  }
0x8b: {  	s0 =	sand.u32 $0x1, s1  }
0x8c: {  	s16 =	sshll.u32 s0, $0xA;
	s2 =	sadd.s32 s3, s2  }
0x8d: {  	s2 =	sadd.s32 s2, s16  }
0x8e: {  	[smem:$0x3FC6] =	sst s2  }
0x8f: {  	_ = 	snop  }
0x90: {  	(tm) =	ssettm $0x1  }
0x91: {  	s17 =	sld [smem:$0x3FFB];
	_ =	sdelay $0x3  }
0x92: {  	_ =	strace s17  }
0x93: {  	s2 =	sld [smem:$0x3FFC];
	_ =	sdelay $0x3  }
0x94: {  	_ =	strace s2  }
0x95: {  	s2 =	sld [smem:$0x3FFD];
	_ =	sdelay $0x3  }
0x96: {  	_ =	strace s2  }
0x97: {  	_ =	strace $0x8FFFFFFF  }
0x98: {  	s18 =	sld [smem:$0x3FDB];
	_ =	sdelay $0x1  }
0x99: {  	s19 =	simm.s32 $_scs_section_size  }
0x9a: {  	s4 =	simm.s32 $_size__tile_overlayer_lowered;
	s5 =	simm.s32 $_tile_overlayer_lowered  }
0x9b: {  	s22 =	simm.s32 $0x1BFF;
	s21 =	sshll.u32 s5, $0x1;
	s2 =	sadd.s32 s19, s18  }
0x9c: {  	s6 =	simm.s32 $0x0;
	s20 =	sshll.u32 s4, $0x1;
	s4 =	sadd.s32 s21, s2  }
0x9d: {  	[timem:s6], [sflag:s22] =	dma.local [hbm:s4], s20  }
0x9e: {  	_ =	swait.ge [sflag:s22], s20  }
0x9f: {  	s3 =	ssub.s32 $0x0, s20;
	[sflag:s22] =	ssyncset.done $0x0  }
0xa0: {  	[sflag:s22] =	ssyncadd.s32 s3;
	_ =	sdelay $0x1  }
0xa1: {  	s23 =	simm.s32 $0x1B8B  }
0xa2: {  	_ =	swait.ge [sflag:s23], $0x1  }
0xa3: {  	[sflag:s23] =	ssyncset.done $0x0  }
0xa4: {  	s25 =	simm.s32 $0x1B8E;
	s24 =	sld [smem:$0x3FFE];
	[sflag:s23] =	ssyncadd.s32 $0xFFFFFFFF  }
0xa5: {  	s26 =	simm.s32 $execute0_lowered;
	[smem:$0x3FD2] =	sst s25  }
0xa6: {  	s4 =	sshll.u32 s26, $0x1;
	_ =	strace $0x80000049;
	[dreg:$0x1] =	wrdreg $0xFFFFFFFF  }
0xa7: {  	s28 =	simm.s32 $_size_execute0_lowered;
	s2 =	sadd.s32 s2, s4;
	[dreg:$0x0] =	wrdreg $0x0  }
0xa8: {  	s4 =	sshll.u32 s28, $0x1;
	[dreg:$0x2] =	wrdreg s2  }
0xa9: {  	[dreg:$0x3] =	wrdreg s4  }
0xaa: {  	[dreg:$0x4] =	wrdreg $0xC0  }
0xab: {  	_ =	task [dreg:s6], $0x5FFFF  }
0xac: {  	[dreg:$0x1] =	wrdreg $0xFFFFFFFF  }
0xad: {  	[dreg:$0x0] =	wrdreg $0x60  }
0xae: {  	[dreg:$0x2] =	wrdreg s24  }
0xaf: {  	[dreg:$0x3] =	wrdreg $0x9  }
0xb0: {  	_ =	task.clear_ibuf [dreg:s6], $0x4FFFF;
	_ =	strace $0x90000049  }
0xb1: {  	s29 =	simm.s32 $0x9;
	_ =	strace $0x8000004B  }
0xb2: {  	_ =	swait.ge [sflag:s29], $0x1  }
0xb3: {  	[sflag:s29] =	ssyncadd.s32 $0xFFFFFFFF  }
0xb4: {  	_ =	strace $0x9000004B  }
0xb5: {  	_ =	sfence  }
0xb6: {  	s30 =	sld [smem:$0x0];
	_ =	sdelay $0x2  }
0xb7: {  	s31 =	sshll.u32 s1, $0xD;
	s1 =	sshrl.u32 s1, $0x2  }
0xb8: {  	s3 =	sand.u32 $0x4000, s31;
	s1 =	sadd.s32 s1, s30  }
0xb9: {  	s0 =	sor.u32 s3, s0;
	s1 =	sshll.u32 s1, $0x11  }
0xba: {  	s0 =	sor.u32 s1, s0  }
0xbb: {  	s0 =	sadd.s32 $0x8F2B, s0  }
0xbc: {  	[sflag:s0] =	ssyncadd.remote.s32 $0x1  }
0xbd: {  	_ =	sfence.sel $0xFFFF  }
0xbe: {  	[dreg:$0x0] =	wrdreg $0xFFFFFFFF;
	(pc) =	sbr.abs _section_cstart, $3  }
0xbf: {  	[dreg:$0x1] =	wrdreg $0xFFFFFFFF  }
0xc0: {  	_ =	task.clear_ibuf [dreg:s6], $0x2FFFF;
	_ =	strace $0x9FFFFFFF  }
0xc1: {  	(tm) =	ssettm $0x7FFFFFFF  }
tec
execute0_lowered:
.L_overlay_start_1:
0x0: {  	(tag) =	ssettag $0x1  }
0x1: {  	s1 =	srdreg.scid  }
0x2: {  	s0 =	stileid.u32;
	s4 =	rddreg [dreg:$0x0];
	s8 =	simm.s32 $0x1  }
0x3: {  	s9 =	simm.s32 $0x8C00;
	s10 =	simm.s32 $0x80;
	s11 =	simm.s32 $0x400  }
0x4: {  	s3 =	sand.u32 $0x1, s1;
	s2 =	sshll.u32 s0, $0x1;
	s1 =	rddreg [dreg:$0x1]  }
0x5: {  	s6 =	sshrl.u32 s0, $0x2;
	s5 =	sor.u32 s3, s2;
	s2 =	simm.s32 $0x0  }
0x6: {  	s6 =	smul.u32 $0x78000, s6;
	s30 =	ssub.s32 $0x2, s3;
	s7 =	sshll.u32 s5, $0x7  }
0x7: {  	s3 =	sadd.s32 $0x21000, s4;
	[smem:$0x7FF] =	sst s2;
	s7 =	sand.u32 $0x380, s7  }
0x8: {  	s5 =	sshll.u32 s5, $0xC;
	s31 =	sshrl.u32 s30, $0x1;
	s6 =	sor.u32 s6, s7  }
0x9: {  	_ =	strace $0x8000004A;
	s5 =	sadd.s32 s5, s4;
	s6 =	sshrl.u32 s6, $0x3  }
0xa: {  	v1 =	vlaneseq.u32;
	s7 =	ssub.s32 s30, s31;
	s6 =	sadd.s32 s6, s4;
	s4 =	sadd.s32 $0x1000, s5  }
0xb: {  	v0 =	vimm.s32 $0x0;
	v2 =	vimm.s32 $0x1;
	v1 =	vmul.u32 $0xF00, v1;
	s5 =	sadd.s32 $0x21200, s6;
	s6 =	smax.u32 s7, $0x1;
	s7 =	simm.s32 $0x8000  }
.LBB2_1:
0xc: {  	s12 =	simm.s32 $0x40;
	s13 =	simm.s32 $0x0  }
.LBB2_2:
0xd: {  	p0 =	sne.s32 s12, $0x3BFC0;
	[tilespmem:s13+$0x8C00] =	vst v0;
	s13 =	smov.u32 s12;
	s12 =	sadd.s32 $0x40, s12  }
.Ltmp0:
0xe: {  	(pc) =	sbr.rel @p0 .LBB2_2-.Ltmp0, $2  }
0xf: {  	_ =	sdelay $0x2  }
0x10: {  	s13 =	sshra.s32 s13, $0x2  }
0x11: {  	[tilespmem:s13+$0x8C00] =	vst v0;
	s12 =	simm.s32 $0x0  }
0x12: {  	[tilespmem:s7], [sflag:$0x1] =	stream.linear.gather [hbm4b:s3+s12], $0xC00, $0x38;
	[tilespmem:$0x17C00] =	vst v63  }
0x13: {  	_ =	swait.ge [sflag:s8], $0xC00  }
0x14: {  	[sflag:s8] =	ssyncset.done $0x0  }
0x15: {  	[sflag:s8] =	ssyncadd.s32 $0xFFFFF400  }
0x16: {  	[tilespmem:s12], [sflag:$0x1] =	stream.linear.gather [hbm4b:s4+s12], $0x8000, $0x38;
	[tilespmem:$0x17C00] =	vst v63  }
0x17: {  	_ =	swait.ge [sflag:s8], $0x8000  }
0x18: {  	[sflag:s8] =	ssyncset.done $0x0  }
0x19: {  	[sflag:s8] =	ssyncadd.s32 $0xFFFF8000  }
.LBB2_4:
0x1a: {  	s13 =	sshra.s32 s12, $0x2  }
0x1b: {  	v3 =	vld [tilespmem:s13+$0x0];
	_ =	sdelay $0x4  }
0x1c: {  	v4 =	vadd.s32 $0xC3800000, v3  }
0x1d: {  	v4 =	vshra.s32 v4, $0xE  }
0x1e: {  	vm0 =	vgt.s32 v4, $0x0  }
0x1f: {  	v4 =	vnsel vm0, $0x0, v4  }
0x20: {  	v4 =	vmin.u32 v4, $0xBFF;
	_ =	sdelay $0x4  }
0x21: {  	v4 =	vld.idx.msk [tilespmem:v4+s7+$0x0], $0xffff;
	_ =	sdelay $0x4  }
0x22: {  	vm14 =	vgt.s32 v4, $0x0  }
0x23: {  	vm1 =	vgt.s32 v4, $0xFFFFFFFF;
	v4 =	vnsel vm14, $0x0, v4  }
0x24: {  	vm15 =	vlt.s32 v3, $0x3F800001;
	v3 =	vshrl.u32 v3, $0x7;
	v4 =	vshll.u32 v4, $0x7  }
0x25: {  	v3 =	vand.u32 $0x7F, v3;
	vm0 =	vmand vm15, vm1;
	v4 =	vadd.s32 v1, v4  }
0x26: {  	p0 =	sne.s32 s12, $0x1FFC0;
	v3 =	vor.u32 v3, v4  }
.Ltmp1:
0x27: {  	_ = 	snop;
	(pc) =	sbr.rel @p0 .LBB2_4-.Ltmp1, $2  }
0x28: {  	_ =	sdelay $0x2  }
0x29: {  	s12 =	sadd.s32 $0x40, s12;
	[tilespmem:v3+s9+$0x0] =	vst.idx.add.s32.msk vm0, v2  }
0x2a: {  	s2 =	sadd.s32 $0x1, s2  }
0x2b: {  	p0 =	sne.s32 s2, s6  }
.Ltmp2:
0x2c: {  	_ = 	snop;
	(pc) =	sbr.rel @p0 .LBB2_1-.Ltmp2, $4  }
0x2d: {  	[hbm4b:s5+s10] =	stream.strided.scatter [tilespmem:s9], [sflag:$0x1], $0xF000, s11, s10, $0x38;
	[tilespmem:$0x17C00] =	vst v63  }
0x2e: {  	_ =	swait.ge [sflag:s8], $0xF000  }
0x2f: {  	[sflag:s8] =	ssyncset.done $0x0  }
0x30: {  	[sflag:s8] =	ssyncadd.s32 $0xFFFF1000  }
0x31: {  	_ =	sfence.sel $0x180000  }
0x32: {  	[bflag:$0x0] =	sbarrier.arrive $0xFFFF  }
0x33: {  	p0 =	sne.s32 s0, $0x0;
	_ =	strace $0x9000004A  }
0x34: {  	s0 =	sadd.s32 @!p0 $0x100000, s1;
	[bflag:$0x2] =	sbarrier.arrive $0xFFFF  }
0x35: {  	[sflag:s0] =	ssyncadd.tile.s32 @!p0 $0x1;
	_ =	shalt  }
.Lfunc_end2:
_tile_overlayer_lowered:
.L_overlay_start_2:
0x36: {  	(tag) =	ssettag $0x2  }
0x37: {  	s0 =	rddreg [dreg:$0x0];
	s2 =	stileid.u32  }
0x38: {  	s1 =	rddreg [dreg:$0x1];
	p0 =	sne.s32 s2, $0x0  }
0x39: {  	s3 =	rddreg [dreg:$0x2];
	[bflag:$0x3] =	sbarrier.arrive $0xFFFF;
	s2 =	simm.s32 @!p0 $0x1C01  }
0x3a: {  	[timem:s3], [sflag:s2] =	dma.local @!p0 [hbm:s0], s1  }
0x3b: {  	s0 =	simm.s32 @!p0 $0x1  }
0x3c: {  	_ =	swait.ge @!p0 [sflag:s0], s1  }
0x3d: {  	s1 =	ssub.s32 @!p0 $0x0, s1;
	[sflag:s0] =	ssyncset.done @!p0 $0x0  }
0x3e: {  	[sflag:s0] =	ssyncadd.s32 @!p0 s1  }
0x3f: {  	[bflag:$0x3] =	sbarrier.arrive $0xFFFF  }
0x40: {  	_ =	shalt  }

// kernel: kernel.8.cloned.1.call-start
scs
__scs_entry_jumppad:
0x0: {  	(pc) =	sbr.rel $0x88, $3  }
0x1: {  	(tag) =	ssettag $0x0;
	lr =	simm.s32 $0x1  }
0x2: {  	[smem:$0x3F9F] =	sst lr;
	_ =	strace $0xD0000000  }
0x3: {  	_ = 	snop  }
0x4: {  	_ = 	snop  }
0x5: {  	_ = 	snop  }
0x6: {  	_ = 	snop  }
0x7: {  	_ = 	snop  }
__scs_overlays_trampoline_lowered:
0x8: {  	[smem:$0x3FAE] =	sst s0  }
0x9: {  	[smem:$0x3FAF] =	sst s1  }
0xa: {  	[smem:$0x3FB0] =	sst s2  }
0xb: {  	[smem:$0x3FB1] =	sst s3  }
0xc: {  	[smem:$0x3FB2] =	sst s4  }
0xd: {  	[smem:$0x3FB3] =	sst s5  }
0xe: {  	[smem:$0x3FB4] =	sst s6  }
0xf: {  	[smem:$0x3FB5] =	sst s7  }
0x10: {  	[smem:$0x3FB6] =	sst s8  }
0x11: {  	[smem:$0x3FB7] =	sst s9;
	s0 =	simm.s32 @!p0 $0x0  }
0x12: {  	s1 =	sld [smem:$0x3F9D];
	s0 =	simm.s32 @p0 $0x1  }
0x13: {  	[smem:$0x3FB8] =	sst s0;
	s0 =	simm.s32 @!p1 $0x0  }
0x14: {  	s2 =	sld [smem:$0x3F9C];
	s0 =	simm.s32 @p1 $0x1  }
0x15: {  	[smem:$0x3FB9] =	sst s0;
	s0 =	simm.s32 @!p2 $0x0  }
0x16: {  	s3 =	sld [smem:$0x3FDB];
	s0 =	simm.s32 @p2 $0x1  }
0x17: {  	s4 =	simm.s32 $0x1BF5;
	[smem:$0x3FBB] =	sst s0  }
0x18: {  	s0 =	sld [smem:$0x3F9E];
	_ =	swait.ge [sflag:s4], $0x0  }
0x19: {  	s7 =	sld [smem:$0x3F9F]  }
0x1a: {  	s8 =	sadd.s32 $0xFFFFE003, lr  }
0x1b: {  	s9 =	sadd.s32 $0xFFFFFEF7, lr;
	s5 =	simm.s32 $0xFFFFFFFF;
	p2 =	slt.u32 s8, $0xFFFFF086  }
0x1c: {  	p1 =	slt.u32 s9, $0xF7A;
	s5 =	simm.s32 @!p2 $0x0  }
0x1d: {  	s5 =	simm.s32 @p1 $0x1;
	p0 =	seq.s32 s7, s2  }
0x1e: {  	s7 =	smul.u32 @!p0 $0xF7A, s2;
	p2 =	seq.s32 @!p0 s5, $0x0  }
0x1f: {  	s9 =	smul.u32 $0xF7A, s1;
	s8 =	simm.s32 @!p0 $0x1BF5;
	p2 =	por !p2, p0  }
0x20: {  	[sflag:s8] =	ssyncset.s32 @!p0 $0xFFFFF086;
	s6 =	sadd.s32 @!p0 s3, s7;
	s7 =	simm.s32 @!p0 $0x108  }
0x21: {  	s3 =	sadd.s32 s3, s9;
	s6 =	sadd.s32 @!p0 $0x88, s6;
	s7 =	simm.s32 @p2 $0x1082  }
0x22: {  	[simem:s7], [sflag:s8] =	dma.local @!p0 [hbm:s6], $0xF7A  }
0x23: {  	s9 =	sor.u32 $0xD0000000, s2;
	s6 =	simm.s32 $0x108;
	_ =	swait.ge @!p0 [sflag:s8], $0x0  }
0x24: {  	s3 =	sadd.s32 $0x88, s3;
	s6 =	simm.s32 @!p1 $0x1082;
	[sflag:s4] =	ssyncset.s32 $0xFFFFF086  }
0x25: {  	[simem:s6], [sflag:s4] =	dma.local [hbm:s3], $0xF7A  }
0x26: {  	[smem:$0x3F9F] =	sst s1;
	(tag) =	ssettag s2;
	_ =	strace s9  }
0x27: {  	s1 =	sld [smem:$0x3FAF]  }
0x28: {  	s2 =	sld [smem:$0x3FB0]  }
0x29: {  	s4 =	sld [smem:$0x3FB2]  }
0x2a: {  	p0 =	seq.s32 s5, $0x0;
	s5 =	sld [smem:$0x3FB3]  }
0x2b: {  	s6 =	sld [smem:$0x3FB4]  }
0x2c: {  	s7 =	sld [smem:$0x3FB5]  }
0x2d: {  	s3 =	simm.s32 $0x108;
	s8 =	sld [smem:$0x3FB6]  }
0x2e: {  	s3 =	simm.s32 @!p0 $0x1082;
	s9 =	sld [smem:$0x3FB7]  }
0x2f: {  	lr =	sadd.s32 s0, s3;
	s0 =	sld [smem:$0x3FAE]  }
0x30: {  	s3 =	sld [smem:$0x3FB1]  }
0x31: {  	[smem:$0x3FBA] =	sst s10  }
0x32: {  	s10 =	sld [smem:$0x3FB8];
	_ =	sdelay $0x3  }
0x33: {  	p0 =	seq.s32 s10, $0x1;
	s10 =	sld [smem:$0x3FBA];
	_ =	sdelay $0x3  }
0x34: {  	[smem:$0x3FBA] =	sst s10  }
0x35: {  	s10 =	sld [smem:$0x3FB9];
	_ =	sdelay $0x3  }
0x36: {  	p1 =	seq.s32 s10, $0x1;
	s10 =	sld [smem:$0x3FBA];
	_ =	sdelay $0x3  }
0x37: {  	[smem:$0x3FBA] =	sst s10  }
0x38: {  	s10 =	sld [smem:$0x3FBB]  }
0x39: {  	_ = 	snop;
	(pc) =	sbr.ind lr, $3  }
0x3a: {  	_ = 	snop  }
0x3b: {  	_ = 	snop  }
0x3c: {  	p2 =	seq.s32 s10, $0x1;
	s10 =	sld [smem:$0x3FBA]  }
0x3d: {  	_ =	shalt  }
0x3e: {  	_ =	shalt  }
0x3f: {  	_ =	shalt  }
0x40: {  	_ =	shalt  }
0x41: {  	_ =	shalt  }
0x42: {  	_ =	shalt  }
0x43: {  	_ =	shalt  }
0x44: {  	_ =	shalt  }
0x45: {  	_ =	shalt  }
0x46: {  	_ =	shalt  }
0x47: {  	_ =	shalt  }
0x48: {  	_ =	shalt  }
0x49: {  	_ =	shalt  }
0x4a: {  	_ =	shalt  }
0x4b: {  	_ =	shalt  }
0x4c: {  	_ =	shalt  }
0x4d: {  	_ =	shalt  }
0x4e: {  	_ =	shalt  }
0x4f: {  	_ =	shalt  }
0x50: {  	_ =	shalt  }
0x51: {  	_ =	shalt  }
0x52: {  	_ =	shalt  }
0x53: {  	_ =	shalt  }
0x54: {  	_ =	shalt  }
0x55: {  	_ =	shalt  }
0x56: {  	_ =	shalt  }
0x57: {  	_ =	shalt  }
0x58: {  	_ =	shalt  }
0x59: {  	_ =	shalt  }
0x5a: {  	_ =	shalt  }
0x5b: {  	_ =	shalt  }
0x5c: {  	_ =	shalt  }
0x5d: {  	_ =	shalt  }
0x5e: {  	_ =	shalt  }
0x5f: {  	_ =	shalt  }
0x60: {  	_ =	shalt  }
0x61: {  	_ =	shalt  }
0x62: {  	_ =	shalt  }
0x63: {  	_ =	shalt  }
0x64: {  	_ =	shalt  }
0x65: {  	_ =	shalt  }
0x66: {  	_ =	shalt  }
0x67: {  	_ =	shalt  }
0x68: {  	_ =	shalt  }
0x69: {  	_ =	shalt  }
0x6a: {  	_ =	shalt  }
0x6b: {  	_ =	shalt  }
0x6c: {  	_ =	shalt  }
0x6d: {  	_ =	shalt  }
0x6e: {  	_ =	shalt  }
0x6f: {  	_ =	shalt  }
0x70: {  	_ =	shalt  }
0x71: {  	_ =	shalt  }
0x72: {  	_ =	shalt  }
0x73: {  	_ =	shalt  }
0x74: {  	_ =	shalt  }
0x75: {  	_ =	shalt  }
0x76: {  	_ =	shalt  }
0x77: {  	_ =	shalt  }
0x78: {  	_ =	shalt  }
0x79: {  	_ =	shalt  }
0x7a: {  	_ =	shalt  }
0x7b: {  	_ =	shalt  }
0x7c: {  	_ =	shalt  }
0x7d: {  	_ =	shalt  }
0x7e: {  	_ =	shalt  }
0x7f: {  	_ =	shalt  }
0x80: {  	_ =	shalt  }
0x81: {  	_ =	shalt  }
0x82: {  	_ =	shalt  }
0x83: {  	_ =	shalt  }
0x84: {  	_ =	shalt  }
0x85: {  	_ =	shalt  }
0x86: {  	_ =	shalt  }
0x87: {  	_ =	shalt  }
.Lfunc_end0:
.L_simem_size_0:
called_computation_lowered:
.L_overlay_start_0:
0x88: {  	s2 =	sld [smem:$0x3FD9]  }
0x89: {  	s3 =	sld [smem:$0x3FFE];
	_ =	sdelay $0x1  }
0x8a: {  	s1 =	srdreg.scid  }
0x8b: {  	s0 =	sand.u32 $0x1, s1  }
0x8c: {  	s16 =	sshll.u32 s0, $0xA;
	s2 =	sadd.s32 s3, s2  }
0x8d: {  	s2 =	sadd.s32 s2, s16  }
0x8e: {  	[smem:$0x3FC6] =	sst s2  }
0x8f: {  	_ = 	snop  }
0x90: {  	(tm) =	ssettm $0x1  }
0x91: {  	s17 =	sld [smem:$0x3FFB];
	_ =	sdelay $0x3  }
0x92: {  	_ =	strace s17  }
0x93: {  	s2 =	sld [smem:$0x3FFC];
	_ =	sdelay $0x3  }
0x94: {  	_ =	strace s2  }
0x95: {  	s2 =	sld [smem:$0x3FFD];
	_ =	sdelay $0x3  }
0x96: {  	_ =	strace s2  }
0x97: {  	_ =	strace $0x8FFFFFFF  }
0x98: {  	s18 =	sld [smem:$0x3FDB];
	_ =	sdelay $0x1  }
0x99: {  	s19 =	simm.s32 $_scs_section_size  }
0x9a: {  	s4 =	simm.s32 $_size__tile_overlayer_lowered;
	s5 =	simm.s32 $_tile_overlayer_lowered  }
0x9b: {  	s22 =	simm.s32 $0x1BFF;
	s21 =	sshll.u32 s5, $0x1;
	s2 =	sadd.s32 s19, s18  }
0x9c: {  	s6 =	simm.s32 $0x0;
	s20 =	sshll.u32 s4, $0x1;
	s4 =	sadd.s32 s21, s2  }
0x9d: {  	[timem:s6], [sflag:s22] =	dma.local [hbm:s4], s20  }
0x9e: {  	_ =	swait.ge [sflag:s22], s20  }
0x9f: {  	s3 =	ssub.s32 $0x0, s20;
	[sflag:s22] =	ssyncset.done $0x0  }
0xa0: {  	[sflag:s22] =	ssyncadd.s32 s3;
	_ =	sdelay $0x1  }
0xa1: {  	s23 =	simm.s32 $0x1B8B  }
0xa2: {  	_ =	swait.ge [sflag:s23], $0x1  }
0xa3: {  	[sflag:s23] =	ssyncset.done $0x0  }
0xa4: {  	s25 =	simm.s32 $0x1B8E;
	s24 =	sld [smem:$0x3FFE];
	[sflag:s23] =	ssyncadd.s32 $0xFFFFFFFF  }
0xa5: {  	s26 =	simm.s32 $execute0_lowered;
	[smem:$0x3FD2] =	sst s25  }
0xa6: {  	s4 =	sshll.u32 s26, $0x1;
	_ =	strace $0x80000046;
	[dreg:$0x1] =	wrdreg $0xFFFFFFFF  }
0xa7: {  	s28 =	simm.s32 $_size_execute0_lowered;
	s2 =	sadd.s32 s2, s4;
	[dreg:$0x0] =	wrdreg $0x0  }
0xa8: {  	s4 =	sshll.u32 s28, $0x1;
	[dreg:$0x2] =	wrdreg s2  }
0xa9: {  	[dreg:$0x3] =	wrdreg s4  }
0xaa: {  	[dreg:$0x4] =	wrdreg $0xC0  }
0xab: {  	_ =	task [dreg:s6], $0x5FFFF  }
0xac: {  	[dreg:$0x1] =	wrdreg $0xFFFFFFFF  }
0xad: {  	[dreg:$0x0] =	wrdreg $0x60  }
0xae: {  	[dreg:$0x2] =	wrdreg s24  }
0xaf: {  	[dreg:$0x3] =	wrdreg $0x9  }
0xb0: {  	_ =	task.clear_ibuf [dreg:s6], $0x4FFFF;
	_ =	strace $0x90000046  }
0xb1: {  	s29 =	simm.s32 $0x9;
	_ =	strace $0x80000048  }
0xb2: {  	_ =	swait.ge [sflag:s29], $0x1  }
0xb3: {  	[sflag:s29] =	ssyncadd.s32 $0xFFFFFFFF  }
0xb4: {  	_ =	strace $0x90000048  }
0xb5: {  	_ =	sfence  }
0xb6: {  	s30 =	sld [smem:$0x0];
	_ =	sdelay $0x2  }
0xb7: {  	s31 =	sshll.u32 s1, $0xD;
	s1 =	sshrl.u32 s1, $0x2  }
0xb8: {  	s3 =	sand.u32 $0x4000, s31;
	s1 =	sadd.s32 s1, s30  }
0xb9: {  	s0 =	sor.u32 s3, s0;
	s1 =	sshll.u32 s1, $0x11  }
0xba: {  	s0 =	sor.u32 s1, s0  }
0xbb: {  	s0 =	sadd.s32 $0x8F2B, s0  }
0xbc: {  	[sflag:s0] =	ssyncadd.remote.s32 $0x1  }
0xbd: {  	_ =	sfence.sel $0xFFFF  }
0xbe: {  	[dreg:$0x0] =	wrdreg $0xFFFFFFFF;
	(pc) =	sbr.abs _section_cstart, $3  }
0xbf: {  	[dreg:$0x1] =	wrdreg $0xFFFFFFFF  }
0xc0: {  	_ =	task.clear_ibuf [dreg:s6], $0x2FFFF;
	_ =	strace $0x9FFFFFFF  }
0xc1: {  	(tm) =	ssettm $0x7FFFFFFF  }
tec
execute0_lowered:
.L_overlay_start_1:
0x0: {  	(tag) =	ssettag $0x1  }
0x1: {  	s3 =	rddreg [dreg:$0x0];
	s2 =	srdreg.scid  }
0x2: {  	s1 =	stileid.u32;
	s0 =	rddreg [dreg:$0x1];
	s8 =	simm.s32 $0x80  }
0x3: {  	s9 =	simm.s32 $0x400;
	s4 =	sand.u32 $0x1, s2;
	s5 =	sshll.u32 s1, $0x1  }
0x4: {  	s2 =	simm.s32 $0x0;
	s6 =	sshrl.u32 s1, $0x2;
	s5 =	sor.u32 s4, s5  }
0x5: {  	[smem:$0x7FF] =	sst s2;
	s6 =	smul.u32 $0x60000, s6;
	s7 =	sshll.u32 s5, $0x7  }
0x6: {  	s4 =	ssub.s32 $0x2, s4;
	_ =	strace $0x80000047;
	s7 =	sand.u32 $0x380, s7  }
0x7: {  	s5 =	sshll.u32 s5, $0xC;
	s31 =	sshrl.u32 s4, $0x1;
	s6 =	sor.u32 s6, s7  }
0x8: {  	s5 =	sadd.s32 s5, s3;
	s7 =	ssub.s32 s4, s31;
	s6 =	sshrl.u32 s6, $0x3  }
0x9: {  	v1 =	vlaneseq.u32;
	s6 =	sadd.s32 s6, s3;
	s3 =	sadd.s32 $0x1000, s5;
	s5 =	smax.u32 s7, $0x1  }
0xa: {  	v0 =	vimm.s32 $0x0;
	v2 =	vimm.s32 $0x1;
	v1 =	vmul.u32 $0xC00, v1;
	s7 =	simm.s32 $0x8000;
	s4 =	sadd.s32 $0x21000, s6;
	s6 =	simm.s32 $0x1  }
.LBB2_1:
0xb: {  	s10 =	simm.s32 $0x40;
	s11 =	simm.s32 $0x0  }
.LBB2_2:
0xc: {  	p0 =	sne.s32 s10, $0x2FFC0;
	[tilespmem:s11+$0x8000] =	vst v0;
	s11 =	smov.u32 s10;
	s10 =	sadd.s32 $0x40, s10  }
.Ltmp0:
0xd: {  	(pc) =	sbr.rel @p0 .LBB2_2-.Ltmp0, $2  }
0xe: {  	_ =	sdelay $0x2  }
0xf: {  	s11 =	sshra.s32 s11, $0x2  }
0x10: {  	[tilespmem:s11+$0x8000] =	vst v0;
	s10 =	simm.s32 $0x0  }
0x11: {  	[tilespmem:s10], [sflag:$0x1] =	stream.linear.gather [hbm4b:s3+s10], $0x8000, $0x38;
	[tilespmem:$0x14000] =	vst v63  }
0x12: {  	_ =	swait.ge [sflag:s6], $0x8000  }
0x13: {  	[sflag:s6] =	ssyncset.done $0x0  }
0x14: {  	s11 =	simm.s32 $0x0;
	s10 =	simm.s32 $0x40;
	[sflag:s6] =	ssyncadd.s32 $0xFFFF8000  }
.LBB2_4:
0x15: {  	p0 =	sne.s32 s10, $0x1FFC0;
	v3 =	vld [tilespmem:s11+$0x0];
	_ =	sdelay $0x4  }
0x16: {  	v4 =	vadd.s32 $0xC3800000, v3  }
0x17: {  	v4 =	vshra.s32 v4, $0xE  }
0x18: {  	vm0 =	vgt.s32 v4, $0x0  }
0x19: {  	v4 =	vnsel vm0, $0x0, v4  }
0x1a: {  	v4 =	vmin.u32 v4, $0xBFF  }
0x1b: {  	v5 =	vadd.s32 v1, v4  }
0x1c: {  	vm0 =	vlt.s32 v3, $0x3F800001;
	v4 =	vand.u32 $0x7F, v4;
	v3 =	vand.u32 $0x1FF80, v5  }
0x1d: {  	v3 =	vor.u32 v4, v3  }
.Ltmp1:
0x1e: {  	(pc) =	sbr.rel @p0 .LBB2_4-.Ltmp1, $2  }
0x1f: {  	_ =	sdelay $0x2  }
0x20: {  	s11 =	sshra.s32 s10, $0x2;
	s10 =	sadd.s32 $0x40, s10;
	[tilespmem:v3+s7+$0x0] =	vst.idx.add.s32.msk vm0, v2  }
0x21: {  	v3 =	vld [tilespmem:s11+$0x0];
	_ =	sdelay $0x4  }
0x22: {  	v4 =	vadd.s32 $0xC3800000, v3  }
0x23: {  	v4 =	vshra.s32 v4, $0xE  }
0x24: {  	vm0 =	vgt.s32 v4, $0x0  }
0x25: {  	v4 =	vnsel vm0, $0x0, v4  }
0x26: {  	v4 =	vmin.u32 v4, $0xBFF  }
0x27: {  	v5 =	vadd.s32 v1, v4  }
0x28: {  	vm15 =	vlt.s32 v3, $0x3F800001;
	v4 =	vand.u32 $0x7F, v4;
	v3 =	vand.u32 $0x1FF80, v5  }
0x29: {  	v3 =	vor.u32 v4, v3;
	_ =	sdelay $0x2  }
0x2a: {  	s2 =	sadd.s32 $0x1, s2  }
0x2b: {  	p0 =	sne.s32 s2, s5  }
.Ltmp2:
0x2c: {  	[tilespmem:v3+s7+$0x0] =	vst.idx.add.s32.msk vm15, v2;
	(pc) =	sbr.rel @p0 .LBB2_1-.Ltmp2, $4  }
0x2d: {  	[hbm4b:s4+s8] =	stream.strided.scatter [tilespmem:s7], [sflag:$0x1], $0xC000, s9, s8, $0x38;
	[tilespmem:$0x14000] =	vst v63  }
0x2e: {  	_ =	swait.ge [sflag:s6], $0xC000  }
0x2f: {  	[sflag:s6] =	ssyncset.done $0x0  }
0x30: {  	[sflag:s6] =	ssyncadd.s32 $0xFFFF4000  }
0x31: {  	_ =	sfence.sel $0x180000  }
0x32: {  	[bflag:$0x0] =	sbarrier.arrive $0xFFFF  }
0x33: {  	p0 =	sne.s32 s1, $0x0;
	_ =	strace $0x90000047  }
0x34: {  	s0 =	sadd.s32 @!p0 $0x100000, s0;
	[bflag:$0x2] =	sbarrier.arrive $0xFFFF  }
0x35: {  	[sflag:s0] =	ssyncadd.tile.s32 @!p0 $0x1;
	_ =	shalt  }
.Lfunc_end2:
_tile_overlayer_lowered:
.L_overlay_start_2:
0x36: {  	(tag) =	ssettag $0x2  }
0x37: {  	s0 =	rddreg [dreg:$0x0];
	s2 =	stileid.u32  }
0x38: {  	s1 =	rddreg [dreg:$0x1];
	p0 =	sne.s32 s2, $0x0  }
0x39: {  	s3 =	rddreg [dreg:$0x2];
	[bflag:$0x3] =	sbarrier.arrive $0xFFFF;
	s2 =	simm.s32 @!p0 $0x1C01  }
0x3a: {  	[timem:s3], [sflag:s2] =	dma.local @!p0 [hbm:s0], s1  }
0x3b: {  	s0 =	simm.s32 @!p0 $0x1  }
0x3c: {  	_ =	swait.ge @!p0 [sflag:s0], s1  }
0x3d: {  	s1 =	ssub.s32 @!p0 $0x0, s1;
	[sflag:s0] =	ssyncset.done @!p0 $0x0  }
0x3e: {  	[sflag:s0] =	ssyncadd.s32 @!p0 s1  }
0x3f: {  	[bflag:$0x3] =	sbarrier.arrive $0xFFFF  }
0x40: {  	_ =	shalt  }

</sc_bundles>
